<compile_context>
chip_gen: v7x
topology: tpu7x:2x2x1
jax: 0.10.2.dev20260603
libtpu: 0.0.44.dev20260713+nightly
codegen_flags: <defaults>
</compile_context>

<pallas_src>
import jax
import jax.numpy as jnp
from jax import lax
from jax.experimental import pallas as pl
from jax.experimental.pallas import tpu as pltpu
from jax.experimental.pallas import tpu_sc as plsc

NUM_EMB = 1000000
DIM = 64
BATCH = 16384
HIST = 50
B_TOTAL = BATCH * HIST
NC = 2
NS = 16
NW = NC * NS
BPW = B_TOTAL // NW
CHUNK = 256
NBUF = 4
GROUP = NBUF * CHUNK
NGROUPS = BPW // GROUP


HALF = NBUF // 2
NCHUNK = BPW // CHUNK


def _emb_body(idx_hbm, table_hbm, out_hbm, idx_v, rows_v, gsem, osem):
    wid = lax.axis_index("s") * NC + lax.axis_index("c")
    base = pl.multiple_of(wid * BPW, BPW)
    pltpu.sync_copy(idx_hbm.at[pl.ds(base, BPW)], idx_v)

    def gather_desc(i, b):
        off = pl.multiple_of(i * CHUNK, CHUNK)
        return pltpu.make_async_copy(
            table_hbm.at[idx_v.at[pl.ds(off, CHUNK)]], rows_v.at[b], gsem.at[b]
        )

    def out_desc(i, b):
        off = pl.multiple_of(i * CHUNK, CHUNK)
        return pltpu.make_async_copy(
            rows_v.at[b], out_hbm.at[pl.ds(base + off, CHUNK)], osem.at[b]
        )

    @pl.loop(0, NGROUPS)
    def _group(g):
        for b in range(NBUF):
            i = g * NBUF + b

            @pl.when(g > 0)
            def _free_slot():
                out_desc(i - NBUF, b).wait()

            gather_desc(i, b).start()

            bj = (b - HALF) % NBUF
            if b >= HALF:
                gather_desc(i - HALF, bj).wait()
                out_desc(i - HALF, bj).start()
            else:

                @pl.when(g > 0)
                def _drain_prev():
                    gather_desc(i - HALF, bj).wait()
                    out_desc(i - HALF, bj).start()

    for b in range(HALF):
        i = NCHUNK - HALF + b
        bj = i % NBUF
        gather_desc(i, bj).wait()
        out_desc(i, bj).start()
    for b in range(NBUF):
        i = NCHUNK - NBUF + b
        out_desc(i, i % NBUF).wait()


@jax.jit
def _embedding_lookup(flat_ids, weights):
    mesh = plsc.VectorSubcoreMesh(core_axis_name="c", subcore_axis_name="s")
    return pl.kernel(
        _emb_body,
        out_type=jax.ShapeDtypeStruct((B_TOTAL, DIM), jnp.float32),
        mesh=mesh,
        scratch_types=[
            pltpu.VMEM((BPW,), jnp.int32),
            pltpu.VMEM((NBUF, CHUNK, DIM), jnp.float32),
            pltpu.SemaphoreType.DMA((NBUF,)),
            pltpu.SemaphoreType.DMA((NBUF,)),
        ],
        compiler_params=pltpu.CompilerParams(use_tc_tiling_on_sc=False),
    )(flat_ids, weights)


def kernel(token_ids, weights):
    flat = token_ids.reshape(-1).astype(jnp.int32)
    out = _embedding_lookup(flat, weights)
    return out.reshape(BATCH, HIST, DIM)

# --- scband reference (transcript-rebuilt; emitter-appended) ---
"""Pipeline reference for scband-embedding-32658931318984 (READ-ONLY COPY).

The authoritative reference and input builder live on the scoring server;
editing this copy changes nothing except your own understanding.
"""

import jax, jax.numpy as jnp
import numpy as np

NUM_EMBEDDINGS = 1000000
EMBEDDING_DIM = 64
BATCH = 16384
HIST_LEN = 50


def setup_inputs(seed: int = 0) -> dict:
    key = jax.random.key(seed)
    k_ids, k_w = jax.random.split(key)
    token_ids = jax.random.randint(k_ids, (BATCH, HIST_LEN), 0, NUM_EMBEDDINGS, dtype=jnp.int64 if jax.config.jax_enable_x64 else jnp.int32)
    # trunc_normal_ with a=-3, b=3, mean=0, std=1
    weights = jax.random.truncated_normal(k_w, -3.0, 3.0, (NUM_EMBEDDINGS, EMBEDDING_DIM), dtype=jnp.float32)
    return {"token_ids": token_ids, "weights": weights}


def reference(token_ids, weights):
    # Embedding lookup: weights[token_ids]
    return jnp.take(weights, token_ids, axis=0)

if __name__ == "__main__":
    import jax
    _d = setup_inputs()
    print(jax.jit(kernel)(*tuple(_d.values())))

</pallas_src>

<mosaic_0001>
#map = affine_map<(d0, d1) -> (0)>
#map1 = affine_map<(d0, d1) -> (0, 0)>
module attributes {stable_mosaic.version = 14 : i64} {
  func.func @_emb_body(%arg0: i32, %arg1: i32, %arg2: memref<819200xi32, #tpu.memory_space<hbm>>, %arg3: memref<1000000x64xf32, #tpu.memory_space<hbm>>, %arg4: memref<819200x64xf32, #tpu.memory_space<hbm>>, %arg5: memref<25600xi32, #tpu.memory_space<vmem>>, %arg6: memref<4x256x64xf32, #tpu.memory_space<vmem>>, %arg7: memref<4x!tpu.dma_semaphore, #tpu.memory_space<semaphore_mem>>, %arg8: memref<4x!tpu.dma_semaphore, #tpu.memory_space<semaphore_mem>>) attributes {dimension_semantics = [#tpu.dimension_semantics<core_parallel>, #tpu.dimension_semantics<subcore_parallel>], iteration_bounds = array<i64: 2, 16>, scalar_prefetch = 0 : i64, scratch_operands = 4 : i64, tpu.core_type = #tpu.core_type<sc_vector_subcore>, window_params = [{transform_indices = #map}, {transform_indices = #map1}, {transform_indices = #map1}]} {
    %mul3A = arith.constant 2 : i32
    %mul3A_0 = arith.muli %arg1, %mul3A : i32
    %add3A = arith.addi %mul3A_0, %arg0 : i32
    %mul3A_1 = arith.constant 25600 : i32
    %mul3A_2 = arith.muli %add3A, %mul3A_1 : i32
    %multiple_of3A = tpu.assume_multiple %mul3A_2, 25600 : i32
    "tpu.region"() ({
      %run_scoped3A = tpu.sem_alloc : memref<!tpu.dma_semaphore, #tpu.memory_space<semaphore_mem>>
      %dma_start3A_147 = tpu.memref_slice %arg2[%multiple_of3A] : memref<819200xi32, #tpu.memory_space<hbm>> -> memref<25600xi32, #tpu.memory_space<hbm>>
      %dma_start3A_148 = tpu.memref_slice %arg2[%multiple_of3A] : memref<819200xi32, #tpu.memory_space<hbm>> -> memref<25600xi32, #tpu.memory_space<hbm>>
      tpu.enqueue_dma source(%dma_start3A_148 : memref<25600xi32, #tpu.memory_space<hbm>>) target(%arg5 : memref<25600xi32, #tpu.memory_space<vmem>>) target_semaphore(%run_scoped3A : memref<!tpu.dma_semaphore, #tpu.memory_space<semaphore_mem>>)
      %dma_wait3A_149 = tpu.memref_slice %arg2[%multiple_of3A] : memref<819200xi32, #tpu.memory_space<hbm>> -> memref<25600xi32, #tpu.memory_space<hbm>>
      %dma_wait3A_150 = tpu.memref_slice %arg2[%multiple_of3A] : memref<819200xi32, #tpu.memory_space<hbm>> -> memref<25600xi32, #tpu.memory_space<hbm>>
      tpu.wait_dma2 semaphore(%run_scoped3A : memref<!tpu.dma_semaphore, #tpu.memory_space<semaphore_mem>>) src(%dma_wait3A_150 : memref<25600xi32, #tpu.memory_space<hbm>>) dst(%arg5 : memref<25600xi32, #tpu.memory_space<vmem>>)
      tpu.yield
    }) : () -> ()
    %scan3A = arith.constant 0 : i32
    %scan3A_3 = arith.constant 25 : i32
    %scan3A_4 = arith.addi %scan3A, %scan3A_3 : i32
    %scan3A_5 = arith.constant 1 : i32
    scf.for %scan3A_147 = %scan3A to %scan3A_4 step %scan3A_5  : i32 {
      %mul3A_148 = arith.constant 1 : i32
      %mul3A_149 = arith.muli %scan3A_147, %mul3A_148 : i32
      %add3A_150 = arith.constant 0 : i32
      %add3A_151 = arith.addi %add3A_150, %mul3A_149 : i32
      %mul3A_152 = arith.constant 4 : i32
      %mul3A_153 = arith.muli %add3A_151, %mul3A_152 : i32
      %add3A_154 = arith.constant 0 : i32
      %add3A_155 = arith.addi %mul3A_153, %add3A_154 : i32
      %gt3A = arith.constant 0 : i32
      %gt3A_156 = arith.cmpi sgt, %add3A_151, %gt3A : i32
      %convert_element_type3A = arith.extui %gt3A_156 : i1 to i32
      %cond3A = arith.constant 0 : i32
      %cond3A_157 = arith.cmpi ne, %convert_element_type3A, %cond3A : i32
      scf.if %cond3A_157 {
        %sub3A_332 = arith.constant 4 : i32
        %sub3A_333 = arith.subi %add3A_155, %sub3A_332 : i32
        %mul3A_334 = arith.constant 256 : i32
        %mul3A_335 = arith.muli %sub3A_333, %mul3A_334 : i32
        %multiple_of3A_336 = tpu.assume_multiple %mul3A_335, 256 : i32
        %add3A_337 = arith.addi %multiple_of3A, %multiple_of3A_336 : i32
        %dma_wait3A_338 = arith.constant 0 : i32
        %dma_wait3A_339 = arith.constant 0 : i32
        %dma_wait3A_340 = arith.constant 0 : i32
        %dma_wait3A_341 = arith.constant 0 : i32
        %dma_wait3A_342 = tpu.memref_slice %arg6[%dma_wait3A_338, %dma_wait3A_340, %dma_wait3A_341] : memref<4x256x64xf32, #tpu.memory_space<vmem>> -> memref<1x256x64xf32, #tpu.memory_space<vmem>>
        %dma_wait3A_343 = tpu.memref_squeeze %dma_wait3A_342 : memref<1x256x64xf32, #tpu.memory_space<vmem>> -> memref<256x64xf32, #tpu.memory_space<vmem>>
        %dma_wait3A_344 = arith.constant 0 : i32
        %dma_wait3A_345 = tpu.memref_slice %arg4[%add3A_337, %dma_wait3A_344] : memref<819200x64xf32, #tpu.memory_space<hbm>> -> memref<256x64xf32, #tpu.memory_space<hbm>>
        %dma_wait3A_346 = tpu.memref_slice %arg8[%dma_wait3A_339] : memref<4x!tpu.dma_semaphore, #tpu.memory_space<semaphore_mem>> -> memref<1x!tpu.dma_semaphore, #tpu.memory_space<semaphore_mem>>
        %dma_wait3A_347 = tpu.memref_squeeze %dma_wait3A_346 : memref<1x!tpu.dma_semaphore, #tpu.memory_space<semaphore_mem>> -> memref<!tpu.dma_semaphore, #tpu.memory_space<semaphore_mem>>
        %dma_wait3A_348 = arith.constant 0 : i32
        %dma_wait3A_349 = tpu.memref_slice %arg4[%add3A_337, %dma_wait3A_348] : memref<819200x64xf32, #tpu.memory_space<hbm>> -> memref<256x64xf32, #tpu.memory_space<hbm>>
        %dma_wait3A_350 = arith.constant 0 : i32
        %dma_wait3A_351 = arith.constant 0 : i32
        %dma_wait3A_352 = tpu.memref_slice %arg6[%dma_wait3A_338, %dma_wait3A_350, %dma_wait3A_351] : memref<4x256x64xf32, #tpu.memory_space<vmem>> -> memref<1x256x64xf32, #tpu.memory_space<vmem>>
        %dma_wait3A_353 = tpu.memref_squeeze %dma_wait3A_352 : memref<1x256x64xf32, #tpu.memory_space<vmem>> -> memref<256x64xf32, #tpu.memory_space<vmem>>
        tpu.wait_dma2 semaphore(%dma_wait3A_347 : memref<!tpu.dma_semaphore, #tpu.memory_space<semaphore_mem>>) src(%dma_wait3A_353 : memref<256x64xf32, #tpu.memory_space<vmem>>) dst(%dma_wait3A_349 : memref<256x64xf32, #tpu.memory_space<hbm>>)
      } else {
      }
      %mul3A_158 = arith.constant 256 : i32
      %mul3A_159 = arith.muli %add3A_155, %mul3A_158 : i32
      %multiple_of3A_160 = tpu.assume_multiple %mul3A_159, 256 : i32
      %dma_start3A_161 = arith.constant 0 : i32
      %dma_start3A_162 = arith.constant 0 : i32
      %dma_start3A_163 = arith.constant 0 : i32
      %dma_start3A_164 = arith.constant 0 : i32
      %dma_start3A_165 = tpu.memref_slice %arg6[%dma_start3A_161, %dma_start3A_163, %dma_start3A_164] : memref<4x256x64xf32, #tpu.memory_space<vmem>> -> memref<1x256x64xf32, #tpu.memory_space<vmem>>
      %dma_start3A_166 = tpu.memref_squeeze %dma_start3A_165 : memref<1x256x64xf32, #tpu.memory_space<vmem>> -> memref<256x64xf32, #tpu.memory_space<vmem>>
      %dma_start3A_167 = tpu.memref_slice %arg5[%multiple_of3A_160] : memref<25600xi32, #tpu.memory_space<vmem>> -> memref<256xi32, #tpu.memory_space<vmem>>
      %dma_start3A_168 = arith.constant 0 : i32
      %dma_start3A_169 = arith.constant 0 : i32
      %dma_start3A_170 = tpu.memref_slice %arg3[%dma_start3A_168, %dma_start3A_169] : memref<1000000x64xf32, #tpu.memory_space<hbm>> -> memref<1000000x64xf32, #tpu.memory_space<hbm>>
      %dma_start3A_171 = tpu.memref_slice %arg7[%dma_start3A_162] : memref<4x!tpu.dma_semaphore, #tpu.memory_space<semaphore_mem>> -> memref<1x!tpu.dma_semaphore, #tpu.memory_space<semaphore_mem>>
      %dma_start3A_172 = tpu.memref_squeeze %dma_start3A_171 : memref<1x!tpu.dma_semaphore, #tpu.memory_space<semaphore_mem>> -> memref<!tpu.dma_semaphore, #tpu.memory_space<semaphore_mem>>
      tpu.enqueue_indirect_dma source(%dma_start3A_170 : memref<1000000x64xf32, #tpu.memory_space<hbm>>) target(%dma_start3A_166 : memref<256x64xf32, #tpu.memory_space<vmem>>) offsets(%dma_start3A_167 : memref<256xi32, #tpu.memory_space<vmem>>) semaphore(%dma_start3A_172 : memref<!tpu.dma_semaphore, #tpu.memory_space<semaphore_mem>>)
      %gt3A_173 = arith.constant 0 : i32
      %gt3A_174 = arith.cmpi sgt, %add3A_151, %gt3A_173 : i32
      %convert_element_type3A_175 = arith.extui %gt3A_174 : i1 to i32
      %cond3A_176 = arith.constant 0 : i32
      %cond3A_177 = arith.cmpi ne, %convert_element_type3A_175, %cond3A_176 : i32
      scf.if %cond3A_177 {
        %sub3A_332 = arith.constant 2 : i32
        %sub3A_333 = arith.subi %add3A_155, %sub3A_332 : i32
        %mul3A_334 = arith.constant 256 : i32
        %mul3A_335 = arith.muli %sub3A_333, %mul3A_334 : i32
        %multiple_of3A_336 = tpu.assume_multiple %mul3A_335, 256 : i32
        %dma_wait3A_337 = arith.constant 2 : i32
        %dma_wait3A_338 = arith.constant 2 : i32
        %dma_wait3A_339 = arith.constant 0 : i32
        %dma_wait3A_340 = arith.constant 0 : i32
        %dma_wait3A_341 = tpu.memref_slice %arg6[%dma_wait3A_337, %dma_wait3A_339, %dma_wait3A_340] : memref<4x256x64xf32, #tpu.memory_space<vmem>> -> memref<1x256x64xf32, #tpu.memory_space<vmem>>
        %dma_wait3A_342 = tpu.memref_squeeze %dma_wait3A_341 : memref<1x256x64xf32, #tpu.memory_space<vmem>> -> memref<256x64xf32, #tpu.memory_space<vmem>>
        %dma_wait3A_343 = tpu.memref_slice %arg5[%multiple_of3A_336] : memref<25600xi32, #tpu.memory_space<vmem>> -> memref<256xi32, #tpu.memory_space<vmem>>
        %dma_wait3A_344 = arith.constant 0 : i32
        %dma_wait3A_345 = arith.constant 0 : i32
        %dma_wait3A_346 = tpu.memref_slice %arg3[%dma_wait3A_344, %dma_wait3A_345] : memref<1000000x64xf32, #tpu.memory_space<hbm>> -> memref<1000000x64xf32, #tpu.memory_space<hbm>>
        %dma_wait3A_347 = tpu.memref_slice %arg7[%dma_wait3A_338] : memref<4x!tpu.dma_semaphore, #tpu.memory_space<semaphore_mem>> -> memref<1x!tpu.dma_semaphore, #tpu.memory_space<semaphore_mem>>
        %dma_wait3A_348 = tpu.memref_squeeze %dma_wait3A_347 : memref<1x!tpu.dma_semaphore, #tpu.memory_space<semaphore_mem>> -> memref<!tpu.dma_semaphore, #tpu.memory_space<semaphore_mem>>
        tpu.wait_indirect_dma semaphore(%dma_wait3A_348 : memref<!tpu.dma_semaphore, #tpu.memory_space<semaphore_mem>>) src(%dma_wait3A_346 : memref<1000000x64xf32, #tpu.memory_space<hbm>>) dst(%dma_wait3A_342 : memref<256x64xf32, #tpu.memory_space<vmem>>)
        %sub3A_349 = arith.constant 2 : i32
        %sub3A_350 = arith.subi %add3A_155, %sub3A_349 : i32
        %mul3A_351 = arith.constant 256 : i32
        %mul3A_352 = arith.muli %sub3A_350, %mul3A_351 : i32
        %multiple_of3A_353 = tpu.assume_multiple %mul3A_352, 256 : i32
        %add3A_354 = arith.addi %multiple_of3A, %multiple_of3A_353 : i32
        %dma_start3A_355 = arith.constant 2 : i32
        %dma_start3A_356 = arith.constant 2 : i32
        %dma_start3A_357 = arith.constant 0 : i32
        %dma_start3A_358 = arith.constant 0 : i32
        %dma_start3A_359 = tpu.memref_slice %arg6[%dma_start3A_355, %dma_start3A_357, %dma_start3A_358] : memref<4x256x64xf32, #tpu.memory_space<vmem>> -> memref<1x256x64xf32, #tpu.memory_space<vmem>>
        %dma_start3A_360 = tpu.memref_squeeze %dma_start3A_359 : memref<1x256x64xf32, #tpu.memory_space<vmem>> -> memref<256x64xf32, #tpu.memory_space<vmem>>
        %dma_start3A_361 = arith.constant 0 : i32
        %dma_start3A_362 = tpu.memref_slice %arg4[%add3A_354, %dma_start3A_361] : memref<819200x64xf32, #tpu.memory_space<hbm>> -> memref<256x64xf32, #tpu.memory_space<hbm>>
        %dma_start3A_363 = tpu.memref_slice %arg8[%dma_start3A_356] : memref<4x!tpu.dma_semaphore, #tpu.memory_space<semaphore_mem>> -> memref<1x!tpu.dma_semaphore, #tpu.memory_space<semaphore_mem>>
        %dma_start3A_364 = tpu.memref_squeeze %dma_start3A_363 : memref<1x!tpu.dma_semaphore, #tpu.memory_space<semaphore_mem>> -> memref<!tpu.dma_semaphore, #tpu.memory_space<semaphore_mem>>
        %dma_start3A_365 = arith.constant 0 : i32
        %dma_start3A_366 = tpu.memref_slice %arg4[%add3A_354, %dma_start3A_365] : memref<819200x64xf32, #tpu.memory_space<hbm>> -> memref<256x64xf32, #tpu.memory_space<hbm>>
        %dma_start3A_367 = arith.constant 0 : i32
        %dma_start3A_368 = arith.constant 0 : i32
        %dma_start3A_369 = tpu.memref_slice %arg6[%dma_start3A_355, %dma_start3A_367, %dma_start3A_368] : memref<4x256x64xf32, #tpu.memory_space<vmem>> -> memref<1x256x64xf32, #tpu.memory_space<vmem>>
        %dma_start3A_370 = tpu.memref_squeeze %dma_start3A_369 : memref<1x256x64xf32, #tpu.memory_space<vmem>> -> memref<256x64xf32, #tpu.memory_space<vmem>>
        tpu.enqueue_dma source(%dma_start3A_370 : memref<256x64xf32, #tpu.memory_space<vmem>>) target(%dma_start3A_366 : memref<256x64xf32, #tpu.memory_space<hbm>>) target_semaphore(%dma_start3A_364 : memref<!tpu.dma_semaphore, #tpu.memory_space<semaphore_mem>>)
      } else {
      }
      %mul3A_178 = arith.constant 4 : i32
      %mul3A_179 = arith.muli %add3A_151, %mul3A_178 : i32
      %add3A_180 = arith.constant 1 : i32
      %add3A_181 = arith.addi %mul3A_179, %add3A_180 : i32
      %gt3A_182 = arith.constant 0 : i32
      %gt3A_183 = arith.cmpi sgt, %add3A_151, %gt3A_182 : i32
      %convert_element_type3A_184 = arith.extui %gt3A_183 : i1 to i32
      %cond3A_185 = arith.constant 0 : i32
      %cond3A_186 = arith.cmpi ne, %convert_element_type3A_184, %cond3A_185 : i32
      scf.if %cond3A_186 {
        %sub3A_332 = arith.constant 4 : i32
        %sub3A_333 = arith.subi %add3A_181, %sub3A_332 : i32
        %mul3A_334 = arith.constant 256 : i32
        %mul3A_335 = arith.muli %sub3A_333, %mul3A_334 : i32
        %multiple_of3A_336 = tpu.assume_multiple %mul3A_335, 256 : i32
        %add3A_337 = arith.addi %multiple_of3A, %multiple_of3A_336 : i32
        %dma_wait3A_338 = arith.constant 1 : i32
        %dma_wait3A_339 = arith.constant 1 : i32
        %dma_wait3A_340 = arith.constant 0 : i32
        %dma_wait3A_341 = arith.constant 0 : i32
        %dma_wait3A_342 = tpu.memref_slice %arg6[%dma_wait3A_338, %dma_wait3A_340, %dma_wait3A_341] : memref<4x256x64xf32, #tpu.memory_space<vmem>> -> memref<1x256x64xf32, #tpu.memory_space<vmem>>
        %dma_wait3A_343 = tpu.memref_squeeze %dma_wait3A_342 : memref<1x256x64xf32, #tpu.memory_space<vmem>> -> memref<256x64xf32, #tpu.memory_space<vmem>>
        %dma_wait3A_344 = arith.constant 0 : i32
        %dma_wait3A_345 = tpu.memref_slice %arg4[%add3A_337, %dma_wait3A_344] : memref<819200x64xf32, #tpu.memory_space<hbm>> -> memref<256x64xf32, #tpu.memory_space<hbm>>
        %dma_wait3A_346 = tpu.memref_slice %arg8[%dma_wait3A_339] : memref<4x!tpu.dma_semaphore, #tpu.memory_space<semaphore_mem>> -> memref<1x!tpu.dma_semaphore, #tpu.memory_space<semaphore_mem>>
        %dma_wait3A_347 = tpu.memref_squeeze %dma_wait3A_346 : memref<1x!tpu.dma_semaphore, #tpu.memory_space<semaphore_mem>> -> memref<!tpu.dma_semaphore, #tpu.memory_space<semaphore_mem>>
        %dma_wait3A_348 = arith.constant 0 : i32
        %dma_wait3A_349 = tpu.memref_slice %arg4[%add3A_337, %dma_wait3A_348] : memref<819200x64xf32, #tpu.memory_space<hbm>> -> memref<256x64xf32, #tpu.memory_space<hbm>>
        %dma_wait3A_350 = arith.constant 0 : i32
        %dma_wait3A_351 = arith.constant 0 : i32
        %dma_wait3A_352 = tpu.memref_slice %arg6[%dma_wait3A_338, %dma_wait3A_350, %dma_wait3A_351] : memref<4x256x64xf32, #tpu.memory_space<vmem>> -> memref<1x256x64xf32, #tpu.memory_space<vmem>>
        %dma_wait3A_353 = tpu.memref_squeeze %dma_wait3A_352 : memref<1x256x64xf32, #tpu.memory_space<vmem>> -> memref<256x64xf32, #tpu.memory_space<vmem>>
        tpu.wait_dma2 semaphore(%dma_wait3A_347 : memref<!tpu.dma_semaphore, #tpu.memory_space<semaphore_mem>>) src(%dma_wait3A_353 : memref<256x64xf32, #tpu.memory_space<vmem>>) dst(%dma_wait3A_349 : memref<256x64xf32, #tpu.memory_space<hbm>>)
      } else {
      }
      %mul3A_187 = arith.constant 256 : i32
      %mul3A_188 = arith.muli %add3A_181, %mul3A_187 : i32
      %multiple_of3A_189 = tpu.assume_multiple %mul3A_188, 256 : i32
      %dma_start3A_190 = arith.constant 1 : i32
      %dma_start3A_191 = arith.constant 1 : i32
      %dma_start3A_192 = arith.constant 0 : i32
      %dma_start3A_193 = arith.constant 0 : i32
      %dma_start3A_194 = tpu.memref_slice %arg6[%dma_start3A_190, %dma_start3A_192, %dma_start3A_193] : memref<4x256x64xf32, #tpu.memory_space<vmem>> -> memref<1x256x64xf32, #tpu.memory_space<vmem>>
      %dma_start3A_195 = tpu.memref_squeeze %dma_start3A_194 : memref<1x256x64xf32, #tpu.memory_space<vmem>> -> memref<256x64xf32, #tpu.memory_space<vmem>>
      %dma_start3A_196 = tpu.memref_slice %arg5[%multiple_of3A_189] : memref<25600xi32, #tpu.memory_space<vmem>> -> memref<256xi32, #tpu.memory_space<vmem>>
      %dma_start3A_197 = arith.constant 0 : i32
      %dma_start3A_198 = arith.constant 0 : i32
      %dma_start3A_199 = tpu.memref_slice %arg3[%dma_start3A_197, %dma_start3A_198] : memref<1000000x64xf32, #tpu.memory_space<hbm>> -> memref<1000000x64xf32, #tpu.memory_space<hbm>>
      %dma_start3A_200 = tpu.memref_slice %arg7[%dma_start3A_191] : memref<4x!tpu.dma_semaphore, #tpu.memory_space<semaphore_mem>> -> memref<1x!tpu.dma_semaphore, #tpu.memory_space<semaphore_mem>>
      %dma_start3A_201 = tpu.memref_squeeze %dma_start3A_200 : memref<1x!tpu.dma_semaphore, #tpu.memory_space<semaphore_mem>> -> memref<!tpu.dma_semaphore, #tpu.memory_space<semaphore_mem>>
      tpu.enqueue_indirect_dma source(%dma_start3A_199 : memref<1000000x64xf32, #tpu.memory_space<hbm>>) target(%dma_start3A_195 : memref<256x64xf32, #tpu.memory_space<vmem>>) offsets(%dma_start3A_196 : memref<256xi32, #tpu.memory_space<vmem>>) semaphore(%dma_start3A_201 : memref<!tpu.dma_semaphore, #tpu.memory_space<semaphore_mem>>)
      %gt3A_202 = arith.constant 0 : i32
      %gt3A_203 = arith.cmpi sgt, %add3A_151, %gt3A_202 : i32
      %convert_element_type3A_204 = arith.extui %gt3A_203 : i1 to i32
      %cond3A_205 = arith.constant 0 : i32
      %cond3A_206 = arith.cmpi ne, %convert_element_type3A_204, %cond3A_205 : i32
      scf.if %cond3A_206 {
        %sub3A_332 = arith.constant 2 : i32
        %sub3A_333 = arith.subi %add3A_181, %sub3A_332 : i32
        %mul3A_334 = arith.constant 256 : i32
        %mul3A_335 = arith.muli %sub3A_333, %mul3A_334 : i32
        %multiple_of3A_336 = tpu.assume_multiple %mul3A_335, 256 : i32
        %dma_wait3A_337 = arith.constant 3 : i32
        %dma_wait3A_338 = arith.constant 3 : i32
        %dma_wait3A_339 = arith.constant 0 : i32
        %dma_wait3A_340 = arith.constant 0 : i32
        %dma_wait3A_341 = tpu.memref_slice %arg6[%dma_wait3A_337, %dma_wait3A_339, %dma_wait3A_340] : memref<4x256x64xf32, #tpu.memory_space<vmem>> -> memref<1x256x64xf32, #tpu.memory_space<vmem>>
        %dma_wait3A_342 = tpu.memref_squeeze %dma_wait3A_341 : memref<1x256x64xf32, #tpu.memory_space<vmem>> -> memref<256x64xf32, #tpu.memory_space<vmem>>
        %dma_wait3A_343 = tpu.memref_slice %arg5[%multiple_of3A_336] : memref<25600xi32, #tpu.memory_space<vmem>> -> memref<256xi32, #tpu.memory_space<vmem>>
        %dma_wait3A_344 = arith.constant 0 : i32
        %dma_wait3A_345 = arith.constant 0 : i32
        %dma_wait3A_346 = tpu.memref_slice %arg3[%dma_wait3A_344, %dma_wait3A_345] : memref<1000000x64xf32, #tpu.memory_space<hbm>> -> memref<1000000x64xf32, #tpu.memory_space<hbm>>
        %dma_wait3A_347 = tpu.memref_slice %arg7[%dma_wait3A_338] : memref<4x!tpu.dma_semaphore, #tpu.memory_space<semaphore_mem>> -> memref<1x!tpu.dma_semaphore, #tpu.memory_space<semaphore_mem>>
        %dma_wait3A_348 = tpu.memref_squeeze %dma_wait3A_347 : memref<1x!tpu.dma_semaphore, #tpu.memory_space<semaphore_mem>> -> memref<!tpu.dma_semaphore, #tpu.memory_space<semaphore_mem>>
        tpu.wait_indirect_dma semaphore(%dma_wait3A_348 : memref<!tpu.dma_semaphore, #tpu.memory_space<semaphore_mem>>) src(%dma_wait3A_346 : memref<1000000x64xf32, #tpu.memory_space<hbm>>) dst(%dma_wait3A_342 : memref<256x64xf32, #tpu.memory_space<vmem>>)
        %sub3A_349 = arith.constant 2 : i32
        %sub3A_350 = arith.subi %add3A_181, %sub3A_349 : i32
        %mul3A_351 = arith.constant 256 : i32
        %mul3A_352 = arith.muli %sub3A_350, %mul3A_351 : i32
        %multiple_of3A_353 = tpu.assume_multiple %mul3A_352, 256 : i32
        %add3A_354 = arith.addi %multiple_of3A, %multiple_of3A_353 : i32
        %dma_start3A_355 = arith.constant 3 : i32
        %dma_start3A_356 = arith.constant 3 : i32
        %dma_start3A_357 = arith.constant 0 : i32
        %dma_start3A_358 = arith.constant 0 : i32
        %dma_start3A_359 = tpu.memref_slice %arg6[%dma_start3A_355, %dma_start3A_357, %dma_start3A_358] : memref<4x256x64xf32, #tpu.memory_space<vmem>> -> memref<1x256x64xf32, #tpu.memory_space<vmem>>
        %dma_start3A_360 = tpu.memref_squeeze %dma_start3A_359 : memref<1x256x64xf32, #tpu.memory_space<vmem>> -> memref<256x64xf32, #tpu.memory_space<vmem>>
        %dma_start3A_361 = arith.constant 0 : i32
        %dma_start3A_362 = tpu.memref_slice %arg4[%add3A_354, %dma_start3A_361] : memref<819200x64xf32, #tpu.memory_space<hbm>> -> memref<256x64xf32, #tpu.memory_space<hbm>>
        %dma_start3A_363 = tpu.memref_slice %arg8[%dma_start3A_356] : memref<4x!tpu.dma_semaphore, #tpu.memory_space<semaphore_mem>> -> memref<1x!tpu.dma_semaphore, #tpu.memory_space<semaphore_mem>>
        %dma_start3A_364 = tpu.memref_squeeze %dma_start3A_363 : memref<1x!tpu.dma_semaphore, #tpu.memory_space<semaphore_mem>> -> memref<!tpu.dma_semaphore, #tpu.memory_space<semaphore_mem>>
        %dma_start3A_365 = arith.constant 0 : i32
        %dma_start3A_366 = tpu.memref_slice %arg4[%add3A_354, %dma_start3A_365] : memref<819200x64xf32, #tpu.memory_space<hbm>> -> memref<256x64xf32, #tpu.memory_space<hbm>>
        %dma_start3A_367 = arith.constant 0 : i32
        %dma_start3A_368 = arith.constant 0 : i32
        %dma_start3A_369 = tpu.memref_slice %arg6[%dma_start3A_355, %dma_start3A_367, %dma_start3A_368] : memref<4x256x64xf32, #tpu.memory_space<vmem>> -> memref<1x256x64xf32, #tpu.memory_space<vmem>>
        %dma_start3A_370 = tpu.memref_squeeze %dma_start3A_369 : memref<1x256x64xf32, #tpu.memory_space<vmem>> -> memref<256x64xf32, #tpu.memory_space<vmem>>
        tpu.enqueue_dma source(%dma_start3A_370 : memref<256x64xf32, #tpu.memory_space<vmem>>) target(%dma_start3A_366 : memref<256x64xf32, #tpu.memory_space<hbm>>) target_semaphore(%dma_start3A_364 : memref<!tpu.dma_semaphore, #tpu.memory_space<semaphore_mem>>)
      } else {
      }
      %mul3A_207 = arith.constant 4 : i32
      %mul3A_208 = arith.muli %add3A_151, %mul3A_207 : i32
      %add3A_209 = arith.constant 2 : i32
      %add3A_210 = arith.addi %mul3A_208, %add3A_209 : i32
      %gt3A_211 = arith.constant 0 : i32
      %gt3A_212 = arith.cmpi sgt, %add3A_151, %gt3A_211 : i32
      %convert_element_type3A_213 = arith.extui %gt3A_212 : i1 to i32
      %cond3A_214 = arith.constant 0 : i32
      %cond3A_215 = arith.cmpi ne, %convert_element_type3A_213, %cond3A_214 : i32
      scf.if %cond3A_215 {
        %sub3A_332 = arith.constant 4 : i32
        %sub3A_333 = arith.subi %add3A_210, %sub3A_332 : i32
        %mul3A_334 = arith.constant 256 : i32
        %mul3A_335 = arith.muli %sub3A_333, %mul3A_334 : i32
        %multiple_of3A_336 = tpu.assume_multiple %mul3A_335, 256 : i32
        %add3A_337 = arith.addi %multiple_of3A, %multiple_of3A_336 : i32
        %dma_wait3A_338 = arith.constant 2 : i32
        %dma_wait3A_339 = arith.constant 2 : i32
        %dma_wait3A_340 = arith.constant 0 : i32
        %dma_wait3A_341 = arith.constant 0 : i32
        %dma_wait3A_342 = tpu.memref_slice %arg6[%dma_wait3A_338, %dma_wait3A_340, %dma_wait3A_341] : memref<4x256x64xf32, #tpu.memory_space<vmem>> -> memref<1x256x64xf32, #tpu.memory_space<vmem>>
        %dma_wait3A_343 = tpu.memref_squeeze %dma_wait3A_342 : memref<1x256x64xf32, #tpu.memory_space<vmem>> -> memref<256x64xf32, #tpu.memory_space<vmem>>
        %dma_wait3A_344 = arith.constant 0 : i32
        %dma_wait3A_345 = tpu.memref_slice %arg4[%add3A_337, %dma_wait3A_344] : memref<819200x64xf32, #tpu.memory_space<hbm>> -> memref<256x64xf32, #tpu.memory_space<hbm>>
        %dma_wait3A_346 = tpu.memref_slice %arg8[%dma_wait3A_339] : memref<4x!tpu.dma_semaphore, #tpu.memory_space<semaphore_mem>> -> memref<1x!tpu.dma_semaphore, #tpu.memory_space<semaphore_mem>>
        %dma_wait3A_347 = tpu.memref_squeeze %dma_wait3A_346 : memref<1x!tpu.dma_semaphore, #tpu.memory_space<semaphore_mem>> -> memref<!tpu.dma_semaphore, #tpu.memory_space<semaphore_mem>>
        %dma_wait3A_348 = arith.constant 0 : i32
        %dma_wait3A_349 = tpu.memref_slice %arg4[%add3A_337, %dma_wait3A_348] : memref<819200x64xf32, #tpu.memory_space<hbm>> -> memref<256x64xf32, #tpu.memory_space<hbm>>
        %dma_wait3A_350 = arith.constant 0 : i32
        %dma_wait3A_351 = arith.constant 0 : i32
        %dma_wait3A_352 = tpu.memref_slice %arg6[%dma_wait3A_338, %dma_wait3A_350, %dma_wait3A_351] : memref<4x256x64xf32, #tpu.memory_space<vmem>> -> memref<1x256x64xf32, #tpu.memory_space<vmem>>
        %dma_wait3A_353 = tpu.memref_squeeze %dma_wait3A_352 : memref<1x256x64xf32, #tpu.memory_space<vmem>> -> memref<256x64xf32, #tpu.memory_space<vmem>>
        tpu.wait_dma2 semaphore(%dma_wait3A_347 : memref<!tpu.dma_semaphore, #tpu.memory_space<semaphore_mem>>) src(%dma_wait3A_353 : memref<256x64xf32, #tpu.memory_space<vmem>>) dst(%dma_wait3A_349 : memref<256x64xf32, #tpu.memory_space<hbm>>)
      } else {
      }
      %mul3A_216 = arith.constant 256 : i32
      %mul3A_217 = arith.muli %add3A_210, %mul3A_216 : i32
      %multiple_of3A_218 = tpu.assume_multiple %mul3A_217, 256 : i32
      %dma_start3A_219 = arith.constant 2 : i32
      %dma_start3A_220 = arith.constant 2 : i32
      %dma_start3A_221 = arith.constant 0 : i32
      %dma_start3A_222 = arith.constant 0 : i32
      %dma_start3A_223 = tpu.memref_slice %arg6[%dma_start3A_219, %dma_start3A_221, %dma_start3A_222] : memref<4x256x64xf32, #tpu.memory_space<vmem>> -> memref<1x256x64xf32, #tpu.memory_space<vmem>>
      %dma_start3A_224 = tpu.memref_squeeze %dma_start3A_223 : memref<1x256x64xf32, #tpu.memory_space<vmem>> -> memref<256x64xf32, #tpu.memory_space<vmem>>
      %dma_start3A_225 = tpu.memref_slice %arg5[%multiple_of3A_218] : memref<25600xi32, #tpu.memory_space<vmem>> -> memref<256xi32, #tpu.memory_space<vmem>>
      %dma_start3A_226 = arith.constant 0 : i32
      %dma_start3A_227 = arith.constant 0 : i32
      %dma_start3A_228 = tpu.memref_slice %arg3[%dma_start3A_226, %dma_start3A_227] : memref<1000000x64xf32, #tpu.memory_space<hbm>> -> memref<1000000x64xf32, #tpu.memory_space<hbm>>
      %dma_start3A_229 = tpu.memref_slice %arg7[%dma_start3A_220] : memref<4x!tpu.dma_semaphore, #tpu.memory_space<semaphore_mem>> -> memref<1x!tpu.dma_semaphore, #tpu.memory_space<semaphore_mem>>
      %dma_start3A_230 = tpu.memref_squeeze %dma_start3A_229 : memref<1x!tpu.dma_semaphore, #tpu.memory_space<semaphore_mem>> -> memref<!tpu.dma_semaphore, #tpu.memory_space<semaphore_mem>>
      tpu.enqueue_indirect_dma source(%dma_start3A_228 : memref<1000000x64xf32, #tpu.memory_space<hbm>>) target(%dma_start3A_224 : memref<256x64xf32, #tpu.memory_space<vmem>>) offsets(%dma_start3A_225 : memref<256xi32, #tpu.memory_space<vmem>>) semaphore(%dma_start3A_230 : memref<!tpu.dma_semaphore, #tpu.memory_space<semaphore_mem>>)
      %sub3A = arith.constant 2 : i32
      %sub3A_231 = arith.subi %add3A_210, %sub3A : i32
      %mul3A_232 = arith.constant 256 : i32
      %mul3A_233 = arith.muli %sub3A_231, %mul3A_232 : i32
      %multiple_of3A_234 = tpu.assume_multiple %mul3A_233, 256 : i32
      %dma_wait3A_235 = arith.constant 0 : i32
      %dma_wait3A_236 = arith.constant 0 : i32
      %dma_wait3A_237 = arith.constant 0 : i32
      %dma_wait3A_238 = arith.constant 0 : i32
      %dma_wait3A_239 = tpu.memref_slice %arg6[%dma_wait3A_235, %dma_wait3A_237, %dma_wait3A_238] : memref<4x256x64xf32, #tpu.memory_space<vmem>> -> memref<1x256x64xf32, #tpu.memory_space<vmem>>
      %dma_wait3A_240 = tpu.memref_squeeze %dma_wait3A_239 : memref<1x256x64xf32, #tpu.memory_space<vmem>> -> memref<256x64xf32, #tpu.memory_space<vmem>>
      %dma_wait3A_241 = tpu.memref_slice %arg5[%multiple_of3A_234] : memref<25600xi32, #tpu.memory_space<vmem>> -> memref<256xi32, #tpu.memory_space<vmem>>
      %dma_wait3A_242 = arith.constant 0 : i32
      %dma_wait3A_243 = arith.constant 0 : i32
      %dma_wait3A_244 = tpu.memref_slice %arg3[%dma_wait3A_242, %dma_wait3A_243] : memref<1000000x64xf32, #tpu.memory_space<hbm>> -> memref<1000000x64xf32, #tpu.memory_space<hbm>>
      %dma_wait3A_245 = tpu.memref_slice %arg7[%dma_wait3A_236] : memref<4x!tpu.dma_semaphore, #tpu.memory_space<semaphore_mem>> -> memref<1x!tpu.dma_semaphore, #tpu.memory_space<semaphore_mem>>
      %dma_wait3A_246 = tpu.memref_squeeze %dma_wait3A_245 : memref<1x!tpu.dma_semaphore, #tpu.memory_space<semaphore_mem>> -> memref<!tpu.dma_semaphore, #tpu.memory_space<semaphore_mem>>
      tpu.wait_indirect_dma semaphore(%dma_wait3A_246 : memref<!tpu.dma_semaphore, #tpu.memory_space<semaphore_mem>>) src(%dma_wait3A_244 : memref<1000000x64xf32, #tpu.memory_space<hbm>>) dst(%dma_wait3A_240 : memref<256x64xf32, #tpu.memory_space<vmem>>)
      %sub3A_247 = arith.constant 2 : i32
      %sub3A_248 = arith.subi %add3A_210, %sub3A_247 : i32
      %mul3A_249 = arith.constant 256 : i32
      %mul3A_250 = arith.muli %sub3A_248, %mul3A_249 : i32
      %multiple_of3A_251 = tpu.assume_multiple %mul3A_250, 256 : i32
      %add3A_252 = arith.addi %multiple_of3A, %multiple_of3A_251 : i32
      %dma_start3A_253 = arith.constant 0 : i32
      %dma_start3A_254 = arith.constant 0 : i32
      %dma_start3A_255 = arith.constant 0 : i32
      %dma_start3A_256 = arith.constant 0 : i32
      %dma_start3A_257 = tpu.memref_slice %arg6[%dma_start3A_253, %dma_start3A_255, %dma_start3A_256] : memref<4x256x64xf32, #tpu.memory_space<vmem>> -> memref<1x256x64xf32, #tpu.memory_space<vmem>>
      %dma_start3A_258 = tpu.memref_squeeze %dma_start3A_257 : memref<1x256x64xf32, #tpu.memory_space<vmem>> -> memref<256x64xf32, #tpu.memory_space<vmem>>
      %dma_start3A_259 = arith.constant 0 : i32
      %dma_start3A_260 = tpu.memref_slice %arg4[%add3A_252, %dma_start3A_259] : memref<819200x64xf32, #tpu.memory_space<hbm>> -> memref<256x64xf32, #tpu.memory_space<hbm>>
      %dma_start3A_261 = tpu.memref_slice %arg8[%dma_start3A_254] : memref<4x!tpu.dma_semaphore, #tpu.memory_space<semaphore_mem>> -> memref<1x!tpu.dma_semaphore, #tpu.memory_space<semaphore_mem>>
      %dma_start3A_262 = tpu.memref_squeeze %dma_start3A_261 : memref<1x!tpu.dma_semaphore, #tpu.memory_space<semaphore_mem>> -> memref<!tpu.dma_semaphore, #tpu.memory_space<semaphore_mem>>
      %dma_start3A_263 = arith.constant 0 : i32
      %dma_start3A_264 = tpu.memref_slice %arg4[%add3A_252, %dma_start3A_263] : memref<819200x64xf32, #tpu.memory_space<hbm>> -> memref<256x64xf32, #tpu.memory_space<hbm>>
      %dma_start3A_265 = arith.constant 0 : i32
      %dma_start3A_266 = arith.constant 0 : i32
      %dma_start3A_267 = tpu.memref_slice %arg6[%dma_start3A_253, %dma_start3A_265, %dma_start3A_266] : memref<4x256x64xf32, #tpu.memory_space<vmem>> -> memref<1x256x64xf32, #tpu.memory_space<vmem>>
      %dma_start3A_268 = tpu.memref_squeeze %dma_start3A_267 : memref<1x256x64xf32, #tpu.memory_space<vmem>> -> memref<256x64xf32, #tpu.memory_space<vmem>>
      tpu.enqueue_dma source(%dma_start3A_268 : memref<256x64xf32, #tpu.memory_space<vmem>>) target(%dma_start3A_264 : memref<256x64xf32, #tpu.memory_space<hbm>>) target_semaphore(%dma_start3A_262 : memref<!tpu.dma_semaphore, #tpu.memory_space<semaphore_mem>>)
      %mul3A_269 = arith.constant 4 : i32
      %mul3A_270 = arith.muli %add3A_151, %mul3A_269 : i32
      %add3A_271 = arith.constant 3 : i32
      %add3A_272 = arith.addi %mul3A_270, %add3A_271 : i32
      %gt3A_273 = arith.constant 0 : i32
      %gt3A_274 = arith.cmpi sgt, %add3A_151, %gt3A_273 : i32
      %convert_element_type3A_275 = arith.extui %gt3A_274 : i1 to i32
      %cond3A_276 = arith.constant 0 : i32
      %cond3A_277 = arith.cmpi ne, %convert_element_type3A_275, %cond3A_276 : i32
      scf.if %cond3A_277 {
        %sub3A_332 = arith.constant 4 : i32
        %sub3A_333 = arith.subi %add3A_272, %sub3A_332 : i32
        %mul3A_334 = arith.constant 256 : i32
        %mul3A_335 = arith.muli %sub3A_333, %mul3A_334 : i32
        %multiple_of3A_336 = tpu.assume_multiple %mul3A_335, 256 : i32
        %add3A_337 = arith.addi %multiple_of3A, %multiple_of3A_336 : i32
        %dma_wait3A_338 = arith.constant 3 : i32
        %dma_wait3A_339 = arith.constant 3 : i32
        %dma_wait3A_340 = arith.constant 0 : i32
        %dma_wait3A_341 = arith.constant 0 : i32
        %dma_wait3A_342 = tpu.memref_slice %arg6[%dma_wait3A_338, %dma_wait3A_340, %dma_wait3A_341] : memref<4x256x64xf32, #tpu.memory_space<vmem>> -> memref<1x256x64xf32, #tpu.memory_space<vmem>>
        %dma_wait3A_343 = tpu.memref_squeeze %dma_wait3A_342 : memref<1x256x64xf32, #tpu.memory_space<vmem>> -> memref<256x64xf32, #tpu.memory_space<vmem>>
        %dma_wait3A_344 = arith.constant 0 : i32
        %dma_wait3A_345 = tpu.memref_slice %arg4[%add3A_337, %dma_wait3A_344] : memref<819200x64xf32, #tpu.memory_space<hbm>> -> memref<256x64xf32, #tpu.memory_space<hbm>>
        %dma_wait3A_346 = tpu.memref_slice %arg8[%dma_wait3A_339] : memref<4x!tpu.dma_semaphore, #tpu.memory_space<semaphore_mem>> -> memref<1x!tpu.dma_semaphore, #tpu.memory_space<semaphore_mem>>
        %dma_wait3A_347 = tpu.memref_squeeze %dma_wait3A_346 : memref<1x!tpu.dma_semaphore, #tpu.memory_space<semaphore_mem>> -> memref<!tpu.dma_semaphore, #tpu.memory_space<semaphore_mem>>
        %dma_wait3A_348 = arith.constant 0 : i32
        %dma_wait3A_349 = tpu.memref_slice %arg4[%add3A_337, %dma_wait3A_348] : memref<819200x64xf32, #tpu.memory_space<hbm>> -> memref<256x64xf32, #tpu.memory_space<hbm>>
        %dma_wait3A_350 = arith.constant 0 : i32
        %dma_wait3A_351 = arith.constant 0 : i32
        %dma_wait3A_352 = tpu.memref_slice %arg6[%dma_wait3A_338, %dma_wait3A_350, %dma_wait3A_351] : memref<4x256x64xf32, #tpu.memory_space<vmem>> -> memref<1x256x64xf32, #tpu.memory_space<vmem>>
        %dma_wait3A_353 = tpu.memref_squeeze %dma_wait3A_352 : memref<1x256x64xf32, #tpu.memory_space<vmem>> -> memref<256x64xf32, #tpu.memory_space<vmem>>
        tpu.wait_dma2 semaphore(%dma_wait3A_347 : memref<!tpu.dma_semaphore, #tpu.memory_space<semaphore_mem>>) src(%dma_wait3A_353 : memref<256x64xf32, #tpu.memory_space<vmem>>) dst(%dma_wait3A_349 : memref<256x64xf32, #tpu.memory_space<hbm>>)
      } else {
      }
      %mul3A_278 = arith.constant 256 : i32
      %mul3A_279 = arith.muli %add3A_272, %mul3A_278 : i32
      %multiple_of3A_280 = tpu.assume_multiple %mul3A_279, 256 : i32
      %dma_start3A_281 = arith.constant 3 : i32
      %dma_start3A_282 = arith.constant 3 : i32
      %dma_start3A_283 = arith.constant 0 : i32
      %dma_start3A_284 = arith.constant 0 : i32
      %dma_start3A_285 = tpu.memref_slice %arg6[%dma_start3A_281, %dma_start3A_283, %dma_start3A_284] : memref<4x256x64xf32, #tpu.memory_space<vmem>> -> memref<1x256x64xf32, #tpu.memory_space<vmem>>
      %dma_start3A_286 = tpu.memref_squeeze %dma_start3A_285 : memref<1x256x64xf32, #tpu.memory_space<vmem>> -> memref<256x64xf32, #tpu.memory_space<vmem>>
      %dma_start3A_287 = tpu.memref_slice %arg5[%multiple_of3A_280] : memref<25600xi32, #tpu.memory_space<vmem>> -> memref<256xi32, #tpu.memory_space<vmem>>
      %dma_start3A_288 = arith.constant 0 : i32
      %dma_start3A_289 = arith.constant 0 : i32
      %dma_start3A_290 = tpu.memref_slice %arg3[%dma_start3A_288, %dma_start3A_289] : memref<1000000x64xf32, #tpu.memory_space<hbm>> -> memref<1000000x64xf32, #tpu.memory_space<hbm>>
      %dma_start3A_291 = tpu.memref_slice %arg7[%dma_start3A_282] : memref<4x!tpu.dma_semaphore, #tpu.memory_space<semaphore_mem>> -> memref<1x!tpu.dma_semaphore, #tpu.memory_space<semaphore_mem>>
      %dma_start3A_292 = tpu.memref_squeeze %dma_start3A_291 : memref<1x!tpu.dma_semaphore, #tpu.memory_space<semaphore_mem>> -> memref<!tpu.dma_semaphore, #tpu.memory_space<semaphore_mem>>
      tpu.enqueue_indirect_dma source(%dma_start3A_290 : memref<1000000x64xf32, #tpu.memory_space<hbm>>) target(%dma_start3A_286 : memref<256x64xf32, #tpu.memory_space<vmem>>) offsets(%dma_start3A_287 : memref<256xi32, #tpu.memory_space<vmem>>) semaphore(%dma_start3A_292 : memref<!tpu.dma_semaphore, #tpu.memory_space<semaphore_mem>>)
      %sub3A_293 = arith.constant 2 : i32
      %sub3A_294 = arith.subi %add3A_272, %sub3A_293 : i32
      %mul3A_295 = arith.constant 256 : i32
      %mul3A_296 = arith.muli %sub3A_294, %mul3A_295 : i32
      %multiple_of3A_297 = tpu.assume_multiple %mul3A_296, 256 : i32
      %dma_wait3A_298 = arith.constant 1 : i32
      %dma_wait3A_299 = arith.constant 1 : i32
      %dma_wait3A_300 = arith.constant 0 : i32
      %dma_wait3A_301 = arith.constant 0 : i32
      %dma_wait3A_302 = tpu.memref_slice %arg6[%dma_wait3A_298, %dma_wait3A_300, %dma_wait3A_301] : memref<4x256x64xf32, #tpu.memory_space<vmem>> -> memref<1x256x64xf32, #tpu.memory_space<vmem>>
      %dma_wait3A_303 = tpu.memref_squeeze %dma_wait3A_302 : memref<1x256x64xf32, #tpu.memory_space<vmem>> -> memref<256x64xf32, #tpu.memory_space<vmem>>
      %dma_wait3A_304 = tpu.memref_slice %arg5[%multiple_of3A_297] : memref<25600xi32, #tpu.memory_space<vmem>> -> memref<256xi32, #tpu.memory_space<vmem>>
      %dma_wait3A_305 = arith.constant 0 : i32
      %dma_wait3A_306 = arith.constant 0 : i32
      %dma_wait3A_307 = tpu.memref_slice %arg3[%dma_wait3A_305, %dma_wait3A_306] : memref<1000000x64xf32, #tpu.memory_space<hbm>> -> memref<1000000x64xf32, #tpu.memory_space<hbm>>
      %dma_wait3A_308 = tpu.memref_slice %arg7[%dma_wait3A_299] : memref<4x!tpu.dma_semaphore, #tpu.memory_space<semaphore_mem>> -> memref<1x!tpu.dma_semaphore, #tpu.memory_space<semaphore_mem>>
      %dma_wait3A_309 = tpu.memref_squeeze %dma_wait3A_308 : memref<1x!tpu.dma_semaphore, #tpu.memory_space<semaphore_mem>> -> memref<!tpu.dma_semaphore, #tpu.memory_space<semaphore_mem>>
      tpu.wait_indirect_dma semaphore(%dma_wait3A_309 : memref<!tpu.dma_semaphore, #tpu.memory_space<semaphore_mem>>) src(%dma_wait3A_307 : memref<1000000x64xf32, #tpu.memory_space<hbm>>) dst(%dma_wait3A_303 : memref<256x64xf32, #tpu.memory_space<vmem>>)
      %sub3A_310 = arith.constant 2 : i32
      %sub3A_311 = arith.subi %add3A_272, %sub3A_310 : i32
      %mul3A_312 = arith.constant 256 : i32
      %mul3A_313 = arith.muli %sub3A_311, %mul3A_312 : i32
      %multiple_of3A_314 = tpu.assume_multiple %mul3A_313, 256 : i32
      %add3A_315 = arith.addi %multiple_of3A, %multiple_of3A_314 : i32
      %dma_start3A_316 = arith.constant 1 : i32
      %dma_start3A_317 = arith.constant 1 : i32
      %dma_start3A_318 = arith.constant 0 : i32
      %dma_start3A_319 = arith.constant 0 : i32
      %dma_start3A_320 = tpu.memref_slice %arg6[%dma_start3A_316, %dma_start3A_318, %dma_start3A_319] : memref<4x256x64xf32, #tpu.memory_space<vmem>> -> memref<1x256x64xf32, #tpu.memory_space<vmem>>
      %dma_start3A_321 = tpu.memref_squeeze %dma_start3A_320 : memref<1x256x64xf32, #tpu.memory_space<vmem>> -> memref<256x64xf32, #tpu.memory_space<vmem>>
      %dma_start3A_322 = arith.constant 0 : i32
      %dma_start3A_323 = tpu.memref_slice %arg4[%add3A_315, %dma_start3A_322] : memref<819200x64xf32, #tpu.memory_space<hbm>> -> memref<256x64xf32, #tpu.memory_space<hbm>>
      %dma_start3A_324 = tpu.memref_slice %arg8[%dma_start3A_317] : memref<4x!tpu.dma_semaphore, #tpu.memory_space<semaphore_mem>> -> memref<1x!tpu.dma_semaphore, #tpu.memory_space<semaphore_mem>>
      %dma_start3A_325 = tpu.memref_squeeze %dma_start3A_324 : memref<1x!tpu.dma_semaphore, #tpu.memory_space<semaphore_mem>> -> memref<!tpu.dma_semaphore, #tpu.memory_space<semaphore_mem>>
      %dma_start3A_326 = arith.constant 0 : i32
      %dma_start3A_327 = tpu.memref_slice %arg4[%add3A_315, %dma_start3A_326] : memref<819200x64xf32, #tpu.memory_space<hbm>> -> memref<256x64xf32, #tpu.memory_space<hbm>>
      %dma_start3A_328 = arith.constant 0 : i32
      %dma_start3A_329 = arith.constant 0 : i32
      %dma_start3A_330 = tpu.memref_slice %arg6[%dma_start3A_316, %dma_start3A_328, %dma_start3A_329] : memref<4x256x64xf32, #tpu.memory_space<vmem>> -> memref<1x256x64xf32, #tpu.memory_space<vmem>>
      %dma_start3A_331 = tpu.memref_squeeze %dma_start3A_330 : memref<1x256x64xf32, #tpu.memory_space<vmem>> -> memref<256x64xf32, #tpu.memory_space<vmem>>
      tpu.enqueue_dma source(%dma_start3A_331 : memref<256x64xf32, #tpu.memory_space<vmem>>) target(%dma_start3A_327 : memref<256x64xf32, #tpu.memory_space<hbm>>) target_semaphore(%dma_start3A_325 : memref<!tpu.dma_semaphore, #tpu.memory_space<semaphore_mem>>)
    }
    %scan3A_6 = arith.constant 25 : i32
    %multiple_of3A_7 = arith.constant 25088 : i32
    %multiple_of3A_8 = tpu.assume_multiple %multiple_of3A_7, 256 : i32
    %dma_wait3A = arith.constant 2 : i32
    %dma_wait3A_9 = arith.constant 2 : i32
    %dma_wait3A_10 = arith.constant 0 : i32
    %dma_wait3A_11 = arith.constant 0 : i32
    %dma_wait3A_12 = tpu.memref_slice %arg6[%dma_wait3A, %dma_wait3A_10, %dma_wait3A_11] : memref<4x256x64xf32, #tpu.memory_space<vmem>> -> memref<1x256x64xf32, #tpu.memory_space<vmem>>
    %dma_wait3A_13 = tpu.memref_squeeze %dma_wait3A_12 : memref<1x256x64xf32, #tpu.memory_space<vmem>> -> memref<256x64xf32, #tpu.memory_space<vmem>>
    %dma_wait3A_14 = tpu.memref_slice %arg5[%multiple_of3A_8] : memref<25600xi32, #tpu.memory_space<vmem>> -> memref<256xi32, #tpu.memory_space<vmem>>
    %dma_wait3A_15 = arith.constant 0 : i32
    %dma_wait3A_16 = arith.constant 0 : i32
    %dma_wait3A_17 = tpu.memref_slice %arg3[%dma_wait3A_15, %dma_wait3A_16] : memref<1000000x64xf32, #tpu.memory_space<hbm>> -> memref<1000000x64xf32, #tpu.memory_space<hbm>>
    %dma_wait3A_18 = tpu.memref_slice %arg7[%dma_wait3A_9] : memref<4x!tpu.dma_semaphore, #tpu.memory_space<semaphore_mem>> -> memref<1x!tpu.dma_semaphore, #tpu.memory_space<semaphore_mem>>
    %dma_wait3A_19 = tpu.memref_squeeze %dma_wait3A_18 : memref<1x!tpu.dma_semaphore, #tpu.memory_space<semaphore_mem>> -> memref<!tpu.dma_semaphore, #tpu.memory_space<semaphore_mem>>
    tpu.wait_indirect_dma semaphore(%dma_wait3A_19 : memref<!tpu.dma_semaphore, #tpu.memory_space<semaphore_mem>>) src(%dma_wait3A_17 : memref<1000000x64xf32, #tpu.memory_space<hbm>>) dst(%dma_wait3A_13 : memref<256x64xf32, #tpu.memory_space<vmem>>)
    %multiple_of3A_20 = arith.constant 25088 : i32
    %multiple_of3A_21 = tpu.assume_multiple %multiple_of3A_20, 256 : i32
    %add3A_22 = arith.addi %multiple_of3A, %multiple_of3A_21 : i32
    %dma_start3A = arith.constant 2 : i32
    %dma_start3A_23 = arith.constant 2 : i32
    %dma_start3A_24 = arith.constant 0 : i32
    %dma_start3A_25 = arith.constant 0 : i32
    %dma_start3A_26 = tpu.memref_slice %arg6[%dma_start3A, %dma_start3A_24, %dma_start3A_25] : memref<4x256x64xf32, #tpu.memory_space<vmem>> -> memref<1x256x64xf32, #tpu.memory_space<vmem>>
    %dma_start3A_27 = tpu.memref_squeeze %dma_start3A_26 : memref<1x256x64xf32, #tpu.memory_space<vmem>> -> memref<256x64xf32, #tpu.memory_space<vmem>>
    %dma_start3A_28 = arith.constant 0 : i32
    %dma_start3A_29 = tpu.memref_slice %arg4[%add3A_22, %dma_start3A_28] : memref<819200x64xf32, #tpu.memory_space<hbm>> -> memref<256x64xf32, #tpu.memory_space<hbm>>
    %dma_start3A_30 = tpu.memref_slice %arg8[%dma_start3A_23] : memref<4x!tpu.dma_semaphore, #tpu.memory_space<semaphore_mem>> -> memref<1x!tpu.dma_semaphore, #tpu.memory_space<semaphore_mem>>
    %dma_start3A_31 = tpu.memref_squeeze %dma_start3A_30 : memref<1x!tpu.dma_semaphore, #tpu.memory_space<semaphore_mem>> -> memref<!tpu.dma_semaphore, #tpu.memory_space<semaphore_mem>>
    %dma_start3A_32 = arith.constant 0 : i32
    %dma_start3A_33 = tpu.memref_slice %arg4[%add3A_22, %dma_start3A_32] : memref<819200x64xf32, #tpu.memory_space<hbm>> -> memref<256x64xf32, #tpu.memory_space<hbm>>
    %dma_start3A_34 = arith.constant 0 : i32
    %dma_start3A_35 = arith.constant 0 : i32
    %dma_start3A_36 = tpu.memref_slice %arg6[%dma_start3A, %dma_start3A_34, %dma_start3A_35] : memref<4x256x64xf32, #tpu.memory_space<vmem>> -> memref<1x256x64xf32, #tpu.memory_space<vmem>>
    %dma_start3A_37 = tpu.memref_squeeze %dma_start3A_36 : memref<1x256x64xf32, #tpu.memory_space<vmem>> -> memref<256x64xf32, #tpu.memory_space<vmem>>
    tpu.enqueue_dma source(%dma_start3A_37 : memref<256x64xf32, #tpu.memory_space<vmem>>) target(%dma_start3A_33 : memref<256x64xf32, #tpu.memory_space<hbm>>) target_semaphore(%dma_start3A_31 : memref<!tpu.dma_semaphore, #tpu.memory_space<semaphore_mem>>)
    %multiple_of3A_38 = arith.constant 25344 : i32
    %multiple_of3A_39 = tpu.assume_multiple %multiple_of3A_38, 256 : i32
    %dma_wait3A_40 = arith.constant 3 : i32
    %dma_wait3A_41 = arith.constant 3 : i32
    %dma_wait3A_42 = arith.constant 0 : i32
    %dma_wait3A_43 = arith.constant 0 : i32
    %dma_wait3A_44 = tpu.memref_slice %arg6[%dma_wait3A_40, %dma_wait3A_42, %dma_wait3A_43] : memref<4x256x64xf32, #tpu.memory_space<vmem>> -> memref<1x256x64xf32, #tpu.memory_space<vmem>>
    %dma_wait3A_45 = tpu.memref_squeeze %dma_wait3A_44 : memref<1x256x64xf32, #tpu.memory_space<vmem>> -> memref<256x64xf32, #tpu.memory_space<vmem>>
    %dma_wait3A_46 = tpu.memref_slice %arg5[%multiple_of3A_39] : memref<25600xi32, #tpu.memory_space<vmem>> -> memref<256xi32, #tpu.memory_space<vmem>>
    %dma_wait3A_47 = arith.constant 0 : i32
    %dma_wait3A_48 = arith.constant 0 : i32
    %dma_wait3A_49 = tpu.memref_slice %arg3[%dma_wait3A_47, %dma_wait3A_48] : memref<1000000x64xf32, #tpu.memory_space<hbm>> -> memref<1000000x64xf32, #tpu.memory_space<hbm>>
    %dma_wait3A_50 = tpu.memref_slice %arg7[%dma_wait3A_41] : memref<4x!tpu.dma_semaphore, #tpu.memory_space<semaphore_mem>> -> memref<1x!tpu.dma_semaphore, #tpu.memory_space<semaphore_mem>>
    %dma_wait3A_51 = tpu.memref_squeeze %dma_wait3A_50 : memref<1x!tpu.dma_semaphore, #tpu.memory_space<semaphore_mem>> -> memref<!tpu.dma_semaphore, #tpu.memory_space<semaphore_mem>>
    tpu.wait_indirect_dma semaphore(%dma_wait3A_51 : memref<!tpu.dma_semaphore, #tpu.memory_space<semaphore_mem>>) src(%dma_wait3A_49 : memref<1000000x64xf32, #tpu.memory_space<hbm>>) dst(%dma_wait3A_45 : memref<256x64xf32, #tpu.memory_space<vmem>>)
    %multiple_of3A_52 = arith.constant 25344 : i32
    %multiple_of3A_53 = tpu.assume_multiple %multiple_of3A_52, 256 : i32
    %add3A_54 = arith.addi %multiple_of3A, %multiple_of3A_53 : i32
    %dma_start3A_55 = arith.constant 3 : i32
    %dma_start3A_56 = arith.constant 3 : i32
    %dma_start3A_57 = arith.constant 0 : i32
    %dma_start3A_58 = arith.constant 0 : i32
    %dma_start3A_59 = tpu.memref_slice %arg6[%dma_start3A_55, %dma_start3A_57, %dma_start3A_58] : memref<4x256x64xf32, #tpu.memory_space<vmem>> -> memref<1x256x64xf32, #tpu.memory_space<vmem>>
    %dma_start3A_60 = tpu.memref_squeeze %dma_start3A_59 : memref<1x256x64xf32, #tpu.memory_space<vmem>> -> memref<256x64xf32, #tpu.memory_space<vmem>>
    %dma_start3A_61 = arith.constant 0 : i32
    %dma_start3A_62 = tpu.memref_slice %arg4[%add3A_54, %dma_start3A_61] : memref<819200x64xf32, #tpu.memory_space<hbm>> -> memref<256x64xf32, #tpu.memory_space<hbm>>
    %dma_start3A_63 = tpu.memref_slice %arg8[%dma_start3A_56] : memref<4x!tpu.dma_semaphore, #tpu.memory_space<semaphore_mem>> -> memref<1x!tpu.dma_semaphore, #tpu.memory_space<semaphore_mem>>
    %dma_start3A_64 = tpu.memref_squeeze %dma_start3A_63 : memref<1x!tpu.dma_semaphore, #tpu.memory_space<semaphore_mem>> -> memref<!tpu.dma_semaphore, #tpu.memory_space<semaphore_mem>>
    %dma_start3A_65 = arith.constant 0 : i32
    %dma_start3A_66 = tpu.memref_slice %arg4[%add3A_54, %dma_start3A_65] : memref<819200x64xf32, #tpu.memory_space<hbm>> -> memref<256x64xf32, #tpu.memory_space<hbm>>
    %dma_start3A_67 = arith.constant 0 : i32
    %dma_start3A_68 = arith.constant 0 : i32
    %dma_start3A_69 = tpu.memref_slice %arg6[%dma_start3A_55, %dma_start3A_67, %dma_start3A_68] : memref<4x256x64xf32, #tpu.memory_space<vmem>> -> memref<1x256x64xf32, #tpu.memory_space<vmem>>
    %dma_start3A_70 = tpu.memref_squeeze %dma_start3A_69 : memref<1x256x64xf32, #tpu.memory_space<vmem>> -> memref<256x64xf32, #tpu.memory_space<vmem>>
    tpu.enqueue_dma source(%dma_start3A_70 : memref<256x64xf32, #tpu.memory_space<vmem>>) target(%dma_start3A_66 : memref<256x64xf32, #tpu.memory_space<hbm>>) target_semaphore(%dma_start3A_64 : memref<!tpu.dma_semaphore, #tpu.memory_space<semaphore_mem>>)
    %multiple_of3A_71 = arith.constant 24576 : i32
    %multiple_of3A_72 = tpu.assume_multiple %multiple_of3A_71, 256 : i32
    %add3A_73 = arith.addi %multiple_of3A, %multiple_of3A_72 : i32
    %dma_wait3A_74 = arith.constant 0 : i32
    %dma_wait3A_75 = arith.constant 0 : i32
    %dma_wait3A_76 = arith.constant 0 : i32
    %dma_wait3A_77 = arith.constant 0 : i32
    %dma_wait3A_78 = tpu.memref_slice %arg6[%dma_wait3A_74, %dma_wait3A_76, %dma_wait3A_77] : memref<4x256x64xf32, #tpu.memory_space<vmem>> -> memref<1x256x64xf32, #tpu.memory_space<vmem>>
    %dma_wait3A_79 = tpu.memref_squeeze %dma_wait3A_78 : memref<1x256x64xf32, #tpu.memory_space<vmem>> -> memref<256x64xf32, #tpu.memory_space<vmem>>
    %dma_wait3A_80 = arith.constant 0 : i32
    %dma_wait3A_81 = tpu.memref_slice %arg4[%add3A_73, %dma_wait3A_80] : memref<819200x64xf32, #tpu.memory_space<hbm>> -> memref<256x64xf32, #tpu.memory_space<hbm>>
    %dma_wait3A_82 = tpu.memref_slice %arg8[%dma_wait3A_75] : memref<4x!tpu.dma_semaphore, #tpu.memory_space<semaphore_mem>> -> memref<1x!tpu.dma_semaphore, #tpu.memory_space<semaphore_mem>>
    %dma_wait3A_83 = tpu.memref_squeeze %dma_wait3A_82 : memref<1x!tpu.dma_semaphore, #tpu.memory_space<semaphore_mem>> -> memref<!tpu.dma_semaphore, #tpu.memory_space<semaphore_mem>>
    %dma_wait3A_84 = arith.constant 0 : i32
    %dma_wait3A_85 = tpu.memref_slice %arg4[%add3A_73, %dma_wait3A_84] : memref<819200x64xf32, #tpu.memory_space<hbm>> -> memref<256x64xf32, #tpu.memory_space<hbm>>
    %dma_wait3A_86 = arith.constant 0 : i32
    %dma_wait3A_87 = arith.constant 0 : i32
    %dma_wait3A_88 = tpu.memref_slice %arg6[%dma_wait3A_74, %dma_wait3A_86, %dma_wait3A_87] : memref<4x256x64xf32, #tpu.memory_space<vmem>> -> memref<1x256x64xf32, #tpu.memory_space<vmem>>
    %dma_wait3A_89 = tpu.memref_squeeze %dma_wait3A_88 : memref<1x256x64xf32, #tpu.memory_space<vmem>> -> memref<256x64xf32, #tpu.memory_space<vmem>>
    tpu.wait_dma2 semaphore(%dma_wait3A_83 : memref<!tpu.dma_semaphore, #tpu.memory_space<semaphore_mem>>) src(%dma_wait3A_89 : memref<256x64xf32, #tpu.memory_space<vmem>>) dst(%dma_wait3A_85 : memref<256x64xf32, #tpu.memory_space<hbm>>)
    %multiple_of3A_90 = arith.constant 24832 : i32
    %multiple_of3A_91 = tpu.assume_multiple %multiple_of3A_90, 256 : i32
    %add3A_92 = arith.addi %multiple_of3A, %multiple_of3A_91 : i32
    %dma_wait3A_93 = arith.constant 1 : i32
    %dma_wait3A_94 = arith.constant 1 : i32
    %dma_wait3A_95 = arith.constant 0 : i32
    %dma_wait3A_96 = arith.constant 0 : i32
    %dma_wait3A_97 = tpu.memref_slice %arg6[%dma_wait3A_93, %dma_wait3A_95, %dma_wait3A_96] : memref<4x256x64xf32, #tpu.memory_space<vmem>> -> memref<1x256x64xf32, #tpu.memory_space<vmem>>
    %dma_wait3A_98 = tpu.memref_squeeze %dma_wait3A_97 : memref<1x256x64xf32, #tpu.memory_space<vmem>> -> memref<256x64xf32, #tpu.memory_space<vmem>>
    %dma_wait3A_99 = arith.constant 0 : i32
    %dma_wait3A_100 = tpu.memref_slice %arg4[%add3A_92, %dma_wait3A_99] : memref<819200x64xf32, #tpu.memory_space<hbm>> -> memref<256x64xf32, #tpu.memory_space<hbm>>
    %dma_wait3A_101 = tpu.memref_slice %arg8[%dma_wait3A_94] : memref<4x!tpu.dma_semaphore, #tpu.memory_space<semaphore_mem>> -> memref<1x!tpu.dma_semaphore, #tpu.memory_space<semaphore_mem>>
    %dma_wait3A_102 = tpu.memref_squeeze %dma_wait3A_101 : memref<1x!tpu.dma_semaphore, #tpu.memory_space<semaphore_mem>> -> memref<!tpu.dma_semaphore, #tpu.memory_space<semaphore_mem>>
    %dma_wait3A_103 = arith.constant 0 : i32
    %dma_wait3A_104 = tpu.memref_slice %arg4[%add3A_92, %dma_wait3A_103] : memref<819200x64xf32, #tpu.memory_space<hbm>> -> memref<256x64xf32, #tpu.memory_space<hbm>>
    %dma_wait3A_105 = arith.constant 0 : i32
    %dma_wait3A_106 = arith.constant 0 : i32
    %dma_wait3A_107 = tpu.memref_slice %arg6[%dma_wait3A_93, %dma_wait3A_105, %dma_wait3A_106] : memref<4x256x64xf32, #tpu.memory_space<vmem>> -> memref<1x256x64xf32, #tpu.memory_space<vmem>>
    %dma_wait3A_108 = tpu.memref_squeeze %dma_wait3A_107 : memref<1x256x64xf32, #tpu.memory_space<vmem>> -> memref<256x64xf32, #tpu.memory_space<vmem>>
    tpu.wait_dma2 semaphore(%dma_wait3A_102 : memref<!tpu.dma_semaphore, #tpu.memory_space<semaphore_mem>>) src(%dma_wait3A_108 : memref<256x64xf32, #tpu.memory_space<vmem>>) dst(%dma_wait3A_104 : memref<256x64xf32, #tpu.memory_space<hbm>>)
    %multiple_of3A_109 = arith.constant 25088 : i32
    %multiple_of3A_110 = tpu.assume_multiple %multiple_of3A_109, 256 : i32
    %add3A_111 = arith.addi %multiple_of3A, %multiple_of3A_110 : i32
    %dma_wait3A_112 = arith.constant 2 : i32
    %dma_wait3A_113 = arith.constant 2 : i32
    %dma_wait3A_114 = arith.constant 0 : i32
    %dma_wait3A_115 = arith.constant 0 : i32
    %dma_wait3A_116 = tpu.memref_slice %arg6[%dma_wait3A_112, %dma_wait3A_114, %dma_wait3A_115] : memref<4x256x64xf32, #tpu.memory_space<vmem>> -> memref<1x256x64xf32, #tpu.memory_space<vmem>>
    %dma_wait3A_117 = tpu.memref_squeeze %dma_wait3A_116 : memref<1x256x64xf32, #tpu.memory_space<vmem>> -> memref<256x64xf32, #tpu.memory_space<vmem>>
    %dma_wait3A_118 = arith.constant 0 : i32
    %dma_wait3A_119 = tpu.memref_slice %arg4[%add3A_111, %dma_wait3A_118] : memref<819200x64xf32, #tpu.memory_space<hbm>> -> memref<256x64xf32, #tpu.memory_space<hbm>>
    %dma_wait3A_120 = tpu.memref_slice %arg8[%dma_wait3A_113] : memref<4x!tpu.dma_semaphore, #tpu.memory_space<semaphore_mem>> -> memref<1x!tpu.dma_semaphore, #tpu.memory_space<semaphore_mem>>
    %dma_wait3A_121 = tpu.memref_squeeze %dma_wait3A_120 : memref<1x!tpu.dma_semaphore, #tpu.memory_space<semaphore_mem>> -> memref<!tpu.dma_semaphore, #tpu.memory_space<semaphore_mem>>
    %dma_wait3A_122 = arith.constant 0 : i32
    %dma_wait3A_123 = tpu.memref_slice %arg4[%add3A_111, %dma_wait3A_122] : memref<819200x64xf32, #tpu.memory_space<hbm>> -> memref<256x64xf32, #tpu.memory_space<hbm>>
    %dma_wait3A_124 = arith.constant 0 : i32
    %dma_wait3A_125 = arith.constant 0 : i32
    %dma_wait3A_126 = tpu.memref_slice %arg6[%dma_wait3A_112, %dma_wait3A_124, %dma_wait3A_125] : memref<4x256x64xf32, #tpu.memory_space<vmem>> -> memref<1x256x64xf32, #tpu.memory_space<vmem>>
    %dma_wait3A_127 = tpu.memref_squeeze %dma_wait3A_126 : memref<1x256x64xf32, #tpu.memory_space<vmem>> -> memref<256x64xf32, #tpu.memory_space<vmem>>
    tpu.wait_dma2 semaphore(%dma_wait3A_121 : memref<!tpu.dma_semaphore, #tpu.memory_space<semaphore_mem>>) src(%dma_wait3A_127 : memref<256x64xf32, #tpu.memory_space<vmem>>) dst(%dma_wait3A_123 : memref<256x64xf32, #tpu.memory_space<hbm>>)
    %multiple_of3A_128 = arith.constant 25344 : i32
    %multiple_of3A_129 = tpu.assume_multiple %multiple_of3A_128, 256 : i32
    %add3A_130 = arith.addi %multiple_of3A, %multiple_of3A_129 : i32
    %dma_wait3A_131 = arith.constant 3 : i32
    %dma_wait3A_132 = arith.constant 3 : i32
    %dma_wait3A_133 = arith.constant 0 : i32
    %dma_wait3A_134 = arith.constant 0 : i32
    %dma_wait3A_135 = tpu.memref_slice %arg6[%dma_wait3A_131, %dma_wait3A_133, %dma_wait3A_134] : memref<4x256x64xf32, #tpu.memory_space<vmem>> -> memref<1x256x64xf32, #tpu.memory_space<vmem>>
    %dma_wait3A_136 = tpu.memref_squeeze %dma_wait3A_135 : memref<1x256x64xf32, #tpu.memory_space<vmem>> -> memref<256x64xf32, #tpu.memory_space<vmem>>
    %dma_wait3A_137 = arith.constant 0 : i32
    %dma_wait3A_138 = tpu.memref_slice %arg4[%add3A_130, %dma_wait3A_137] : memref<819200x64xf32, #tpu.memory_space<hbm>> -> memref<256x64xf32, #tpu.memory_space<hbm>>
    %dma_wait3A_139 = tpu.memref_slice %arg8[%dma_wait3A_132] : memref<4x!tpu.dma_semaphore, #tpu.memory_space<semaphore_mem>> -> memref<1x!tpu.dma_semaphore, #tpu.memory_space<semaphore_mem>>
    %dma_wait3A_140 = tpu.memref_squeeze %dma_wait3A_139 : memref<1x!tpu.dma_semaphore, #tpu.memory_space<semaphore_mem>> -> memref<!tpu.dma_semaphore, #tpu.memory_space<semaphore_mem>>
    %dma_wait3A_141 = arith.constant 0 : i32
    %dma_wait3A_142 = tpu.memref_slice %arg4[%add3A_130, %dma_wait3A_141] : memref<819200x64xf32, #tpu.memory_space<hbm>> -> memref<256x64xf32, #tpu.memory_space<hbm>>
    %dma_wait3A_143 = arith.constant 0 : i32
    %dma_wait3A_144 = arith.constant 0 : i32
    %dma_wait3A_145 = tpu.memref_slice %arg6[%dma_wait3A_131, %dma_wait3A_143, %dma_wait3A_144] : memref<4x256x64xf32, #tpu.memory_space<vmem>> -> memref<1x256x64xf32, #tpu.memory_space<vmem>>
    %dma_wait3A_146 = tpu.memref_squeeze %dma_wait3A_145 : memref<1x256x64xf32, #tpu.memory_space<vmem>> -> memref<256x64xf32, #tpu.memory_space<vmem>>
    tpu.wait_dma2 semaphore(%dma_wait3A_140 : memref<!tpu.dma_semaphore, #tpu.memory_space<semaphore_mem>>) src(%dma_wait3A_146 : memref<256x64xf32, #tpu.memory_space<vmem>>) dst(%dma_wait3A_142 : memref<256x64xf32, #tpu.memory_space<hbm>>)
    return
  }
}

</mosaic_0001>

<sc_bundles>
// kernel: _embedding_lookup.3.cloned.1.call-start
scs
__scs_entry_jumppad:
0x0: {  	(pc) =	sbr.rel $0x88, $3  }
0x1: {  	(tag) =	ssettag $0x0;
	lr =	simm.s32 $0x1  }
0x2: {  	[smem:$0x3F9F] =	sst lr;
	_ =	strace $0xD0000000  }
0x3: {  	_ = 	snop  }
0x4: {  	_ = 	snop  }
0x5: {  	_ = 	snop  }
0x6: {  	_ = 	snop  }
0x7: {  	_ = 	snop  }
__scs_overlays_trampoline_lowered:
0x8: {  	[smem:$0x3FAE] =	sst s0  }
0x9: {  	[smem:$0x3FAF] =	sst s1  }
0xa: {  	[smem:$0x3FB0] =	sst s2  }
0xb: {  	[smem:$0x3FB1] =	sst s3  }
0xc: {  	[smem:$0x3FB2] =	sst s4  }
0xd: {  	[smem:$0x3FB3] =	sst s5  }
0xe: {  	[smem:$0x3FB4] =	sst s6  }
0xf: {  	[smem:$0x3FB5] =	sst s7  }
0x10: {  	[smem:$0x3FB6] =	sst s8  }
0x11: {  	[smem:$0x3FB7] =	sst s9;
	s0 =	simm.s32 @!p0 $0x0  }
0x12: {  	s1 =	sld [smem:$0x3F9D];
	s0 =	simm.s32 @p0 $0x1  }
0x13: {  	[smem:$0x3FB8] =	sst s0;
	s0 =	simm.s32 @!p1 $0x0  }
0x14: {  	s2 =	sld [smem:$0x3F9C];
	s0 =	simm.s32 @p1 $0x1  }
0x15: {  	[smem:$0x3FB9] =	sst s0;
	s0 =	simm.s32 @!p2 $0x0  }
0x16: {  	s3 =	sld [smem:$0x3FDB];
	s0 =	simm.s32 @p2 $0x1  }
0x17: {  	s4 =	simm.s32 $0x1BF5;
	[smem:$0x3FBB] =	sst s0  }
0x18: {  	s0 =	sld [smem:$0x3F9E];
	_ =	swait.ge [sflag:s4], $0x0  }
0x19: {  	s7 =	sld [smem:$0x3F9F]  }
0x1a: {  	s8 =	sadd.s32 $0xFFFFE003, lr  }
0x1b: {  	s9 =	sadd.s32 $0xFFFFFEF7, lr;
	s5 =	simm.s32 $0xFFFFFFFF;
	p2 =	slt.u32 s8, $0xFFFFF086  }
0x1c: {  	p1 =	slt.u32 s9, $0xF7A;
	s5 =	simm.s32 @!p2 $0x0  }
0x1d: {  	s5 =	simm.s32 @p1 $0x1;
	p0 =	seq.s32 s7, s2  }
0x1e: {  	s7 =	smul.u32 @!p0 $0xF7A, s2;
	p2 =	seq.s32 @!p0 s5, $0x0  }
0x1f: {  	s9 =	smul.u32 $0xF7A, s1;
	s8 =	simm.s32 @!p0 $0x1BF5;
	p2 =	por !p2, p0  }
0x20: {  	[sflag:s8] =	ssyncset.s32 @!p0 $0xFFFFF086;
	s6 =	sadd.s32 @!p0 s3, s7;
	s7 =	simm.s32 @!p0 $0x108  }
0x21: {  	s3 =	sadd.s32 s3, s9;
	s6 =	sadd.s32 @!p0 $0x88, s6;
	s7 =	simm.s32 @p2 $0x1082  }
0x22: {  	[simem:s7], [sflag:s8] =	dma.local @!p0 [hbm:s6], $0xF7A  }
0x23: {  	s9 =	sor.u32 $0xD0000000, s2;
	s6 =	simm.s32 $0x108;
	_ =	swait.ge @!p0 [sflag:s8], $0x0  }
0x24: {  	s3 =	sadd.s32 $0x88, s3;
	s6 =	simm.s32 @!p1 $0x1082;
	[sflag:s4] =	ssyncset.s32 $0xFFFFF086  }
0x25: {  	[simem:s6], [sflag:s4] =	dma.local [hbm:s3], $0xF7A  }
0x26: {  	[smem:$0x3F9F] =	sst s1;
	(tag) =	ssettag s2;
	_ =	strace s9  }
0x27: {  	s1 =	sld [smem:$0x3FAF]  }
0x28: {  	s2 =	sld [smem:$0x3FB0]  }
0x29: {  	s4 =	sld [smem:$0x3FB2]  }
0x2a: {  	p0 =	seq.s32 s5, $0x0;
	s5 =	sld [smem:$0x3FB3]  }
0x2b: {  	s6 =	sld [smem:$0x3FB4]  }
0x2c: {  	s7 =	sld [smem:$0x3FB5]  }
0x2d: {  	s3 =	simm.s32 $0x108;
	s8 =	sld [smem:$0x3FB6]  }
0x2e: {  	s3 =	simm.s32 @!p0 $0x1082;
	s9 =	sld [smem:$0x3FB7]  }
0x2f: {  	lr =	sadd.s32 s0, s3;
	s0 =	sld [smem:$0x3FAE]  }
0x30: {  	s3 =	sld [smem:$0x3FB1]  }
0x31: {  	[smem:$0x3FBA] =	sst s10  }
0x32: {  	s10 =	sld [smem:$0x3FB8];
	_ =	sdelay $0x3  }
0x33: {  	p0 =	seq.s32 s10, $0x1;
	s10 =	sld [smem:$0x3FBA];
	_ =	sdelay $0x3  }
0x34: {  	[smem:$0x3FBA] =	sst s10  }
0x35: {  	s10 =	sld [smem:$0x3FB9];
	_ =	sdelay $0x3  }
0x36: {  	p1 =	seq.s32 s10, $0x1;
	s10 =	sld [smem:$0x3FBA];
	_ =	sdelay $0x3  }
0x37: {  	[smem:$0x3FBA] =	sst s10  }
0x38: {  	s10 =	sld [smem:$0x3FBB]  }
0x39: {  	_ = 	snop;
	(pc) =	sbr.ind lr, $3  }
0x3a: {  	_ = 	snop  }
0x3b: {  	_ = 	snop  }
0x3c: {  	p2 =	seq.s32 s10, $0x1;
	s10 =	sld [smem:$0x3FBA]  }
0x3d: {  	_ =	shalt  }
0x3e: {  	_ =	shalt  }
0x3f: {  	_ =	shalt  }
0x40: {  	_ =	shalt  }
0x41: {  	_ =	shalt  }
0x42: {  	_ =	shalt  }
0x43: {  	_ =	shalt  }
0x44: {  	_ =	shalt  }
0x45: {  	_ =	shalt  }
0x46: {  	_ =	shalt  }
0x47: {  	_ =	shalt  }
0x48: {  	_ =	shalt  }
0x49: {  	_ =	shalt  }
0x4a: {  	_ =	shalt  }
0x4b: {  	_ =	shalt  }
0x4c: {  	_ =	shalt  }
0x4d: {  	_ =	shalt  }
0x4e: {  	_ =	shalt  }
0x4f: {  	_ =	shalt  }
0x50: {  	_ =	shalt  }
0x51: {  	_ =	shalt  }
0x52: {  	_ =	shalt  }
0x53: {  	_ =	shalt  }
0x54: {  	_ =	shalt  }
0x55: {  	_ =	shalt  }
0x56: {  	_ =	shalt  }
0x57: {  	_ =	shalt  }
0x58: {  	_ =	shalt  }
0x59: {  	_ =	shalt  }
0x5a: {  	_ =	shalt  }
0x5b: {  	_ =	shalt  }
0x5c: {  	_ =	shalt  }
0x5d: {  	_ =	shalt  }
0x5e: {  	_ =	shalt  }
0x5f: {  	_ =	shalt  }
0x60: {  	_ =	shalt  }
0x61: {  	_ =	shalt  }
0x62: {  	_ =	shalt  }
0x63: {  	_ =	shalt  }
0x64: {  	_ =	shalt  }
0x65: {  	_ =	shalt  }
0x66: {  	_ =	shalt  }
0x67: {  	_ =	shalt  }
0x68: {  	_ =	shalt  }
0x69: {  	_ =	shalt  }
0x6a: {  	_ =	shalt  }
0x6b: {  	_ =	shalt  }
0x6c: {  	_ =	shalt  }
0x6d: {  	_ =	shalt  }
0x6e: {  	_ =	shalt  }
0x6f: {  	_ =	shalt  }
0x70: {  	_ =	shalt  }
0x71: {  	_ =	shalt  }
0x72: {  	_ =	shalt  }
0x73: {  	_ =	shalt  }
0x74: {  	_ =	shalt  }
0x75: {  	_ =	shalt  }
0x76: {  	_ =	shalt  }
0x77: {  	_ =	shalt  }
0x78: {  	_ =	shalt  }
0x79: {  	_ =	shalt  }
0x7a: {  	_ =	shalt  }
0x7b: {  	_ =	shalt  }
0x7c: {  	_ =	shalt  }
0x7d: {  	_ =	shalt  }
0x7e: {  	_ =	shalt  }
0x7f: {  	_ =	shalt  }
0x80: {  	_ =	shalt  }
0x81: {  	_ =	shalt  }
0x82: {  	_ =	shalt  }
0x83: {  	_ =	shalt  }
0x84: {  	_ =	shalt  }
0x85: {  	_ =	shalt  }
0x86: {  	_ =	shalt  }
0x87: {  	_ =	shalt  }
.Lfunc_end0:
.L_simem_size_0:
called_computation.1_lowered:
.L_overlay_start_0:
0x88: {  	s2 =	sld [smem:$0x3FD9]  }
0x89: {  	s3 =	sld [smem:$0x3FFE];
	_ =	sdelay $0x1  }
0x8a: {  	s1 =	srdreg.scid  }
0x8b: {  	s0 =	sand.u32 $0x1, s1  }
0x8c: {  	s17 =	sshll.u32 s0, $0xA;
	s2 =	sadd.s32 s3, s2  }
0x8d: {  	s2 =	sadd.s32 s2, s17  }
0x8e: {  	[smem:$0x3FC6] =	sst s2  }
0x8f: {  	_ = 	snop  }
0x90: {  	s2 =	sld [smem:$0x3FC9]  }
0x91: {  	s18 =	sld [smem:$0x3FD0];
	(tm) =	ssettm $0x1  }
0x92: {  	s4 =	sld [smem:$0x3FFB];
	_ =	sdelay $0x3  }
0x93: {  	_ =	strace s4  }
0x94: {  	s4 =	sld [smem:$0x3FFC];
	_ =	sdelay $0x3  }
0x95: {  	_ =	strace s4  }
0x96: {  	s4 =	sld [smem:$0x3FFD];
	_ =	sdelay $0x3  }
0x97: {  	_ =	strace s4  }
0x98: {  	_ =	strace $0x8FFFFFFF  }
0x99: {  	s19 =	sld [smem:$0x3FDB];
	_ =	sdelay $0x1  }
0x9a: {  	s5 =	simm.s32 $_scs_section_size  }
0x9b: {  	s6 =	simm.s32 $_size__tile_overlayer_lowered;
	s7 =	simm.s32 $_tile_overlayer_lowered  }
0x9c: {  	s22 =	simm.s32 $0x1BFF;
	s21 =	sshll.u32 s7, $0x1;
	s4 =	sadd.s32 s5, s19  }
0x9d: {  	s8 =	simm.s32 $0x0;
	s20 =	sshll.u32 s6, $0x1;
	s6 =	sadd.s32 s21, s4  }
0x9e: {  	[timem:s8], [sflag:s22] =	dma.local [hbm:s6], s20  }
0x9f: {  	_ =	swait.ge [sflag:s22], s20  }
0xa0: {  	s5 =	ssub.s32 $0x0, s20;
	[sflag:s22] =	ssyncset.done $0x0  }
0xa1: {  	[sflag:s22] =	ssyncadd.s32 s5;
	_ =	sdelay $0x1  }
0xa2: {  	s23 =	simm.s32 $0x1B8B  }
0xa3: {  	_ =	swait.ge [sflag:s23], $0x1  }
0xa4: {  	[sflag:s23] =	ssyncset.done $0x0  }
0xa5: {  	s25 =	simm.s32 $0x1B8E;
	s24 =	sld [smem:$0x3FFE];
	[sflag:s23] =	ssyncadd.s32 $0xFFFFFFFF  }
0xa6: {  	s26 =	simm.s32 $execute0_lowered;
	[smem:$0x3FD2] =	sst s25  }
0xa7: {  	s6 =	sshll.u32 s26, $0x1;
	_ =	strace $0x80000046;
	[dreg:$0x1] =	wrdreg $0xFFFFFFFF  }
0xa8: {  	s28 =	simm.s32 $_size_execute0_lowered;
	s4 =	sadd.s32 s4, s6;
	[dreg:$0x0] =	wrdreg $0x0  }
0xa9: {  	s6 =	sshll.u32 s28, $0x1;
	[dreg:$0x2] =	wrdreg s4  }
0xaa: {  	[dreg:$0x3] =	wrdreg s6  }
0xab: {  	[dreg:$0x4] =	wrdreg $0xC0  }
0xac: {  	_ =	task [dreg:s8], $0x5FFFF  }
0xad: {  	[dreg:$0x1] =	wrdreg $0xFFFFFFFF  }
0xae: {  	[dreg:$0x0] =	wrdreg $0x60  }
0xaf: {  	[dreg:$0x2] =	wrdreg s2  }
0xb0: {  	[dreg:$0x3] =	wrdreg s24  }
0xb1: {  	[dreg:$0x4] =	wrdreg s18  }
0xb2: {  	[dreg:$0x5] =	wrdreg $0x9  }
0xb3: {  	_ =	task.clear_ibuf [dreg:s8], $0x6FFFF;
	_ =	strace $0x90000046  }
0xb4: {  	s29 =	simm.s32 $0x9;
	_ =	strace $0x80000048  }
0xb5: {  	_ =	swait.ge [sflag:s29], $0x1  }
0xb6: {  	[sflag:s29] =	ssyncadd.s32 $0xFFFFFFFF  }
0xb7: {  	_ =	strace $0x90000048  }
0xb8: {  	_ =	sfence  }
0xb9: {  	s30 =	sld [smem:$0x0];
	_ =	sdelay $0x2  }
0xba: {  	s31 =	sshll.u32 s1, $0xD;
	s1 =	sshrl.u32 s1, $0x2  }
0xbb: {  	s3 =	sand.u32 $0x4000, s31;
	s1 =	sadd.s32 s1, s30  }
0xbc: {  	s0 =	sor.u32 s3, s0;
	s1 =	sshll.u32 s1, $0x11  }
0xbd: {  	s0 =	sor.u32 s1, s0  }
0xbe: {  	s0 =	sadd.s32 $0x8F2B, s0  }
0xbf: {  	[sflag:s0] =	ssyncadd.remote.s32 $0x1  }
0xc0: {  	_ =	sfence.sel $0xFFFF  }
0xc1: {  	[dreg:$0x0] =	wrdreg $0xFFFFFFFF;
	(pc) =	sbr.abs _section_cstart, $3  }
0xc2: {  	[dreg:$0x1] =	wrdreg $0xFFFFFFFF  }
0xc3: {  	_ =	task.clear_ibuf [dreg:s8], $0x2FFFF;
	_ =	strace $0x9FFFFFFF  }
0xc4: {  	(tm) =	ssettm $0x7FFFFFFF  }
0xc5: {  	_ =	shalt  }
tec
execute0_lowered:
.L_overlay_start_1:
0x0: {  	(tag) =	ssettag $0x1  }
0x1: {  	s0 =	rddreg [dreg:$0x0]  }
0x2: {  	s1 =	rddreg [dreg:$0x1];
	s3 =	srdreg.scid  }
0x3: {  	s10 =	stileid.u32;
	s2 =	rddreg [dreg:$0x2];
	s12 =	simm.s32 $0x100  }
0x4: {  	s13 =	simm.s32 $0xE400;
	s14 =	simm.s32 $0x1;
	s30 =	simm.s32 $0x6400  }
0x5: {  	s15 =	simm.s32 $0x12400;
	s31 =	simm.s32 $0xA400;
	s16 =	simm.s32 $0x2  }
0x6: {  	s19 =	simm.s32 $0x5;
	s20 =	simm.s32 $0x6;
	s21 =	simm.s32 $0x7  }
0x7: {  	s6 =	sand.u32 $0x1, s3;
	s22 =	sshll.u32 s10, $0x1;
	s3 =	simm.s32 $0x0  }
0x8: {  	s10 =	smul.u32 $0x64000, s10;
	s5 =	sor.u32 s6, s22;
	s7 =	ssub.s32 $0x2, s6  }
0x9: {  	[smem:$0x7FF] =	sst s3;
	s4 =	smul.u32 $0x6400, s5;
	s8 =	sshrl.u32 s7, $0x1  }
0xa: {  	s9 =	smul.u32 $0x190000, s5;
	_ =	strace $0x80000047;
	[dreg:$0x4] =	wrdreg s30  }
0xb: {  	s6 =	smul.u32 $0x32000, s6;
	[dreg:$0x5] =	wrdreg s31;
	s23 =	ssub.s32 s7, s8  }
0xc: {  	s24 =	sshrl.u32 s4, $0x3;
	s25 =	sshrl.u32 s9, $0x3;
	s29 =	smax.u32 s23, $0x1  }
0xd: {  	s0 =	sadd.s32 s0, s24;
	s26 =	sadd.s32 s2, s25;
	[dreg:$0x9] =	wrdreg s29  }
0xe: {  	s22 =	simm.s32 $0x8;
	[dreg:$0x6] =	wrdreg s0;
	s28 =	sadd.s32 $0x31000, s26  }
0xf: {  	s5 =	sadd.s32 $0xF42C00, s1;
	s0 =	sadd.s32 $0x31800, s26;
	[dreg:$0x7] =	wrdreg s28  }
0x10: {  	s10 =	sadd.s32 s6, s10;
	s23 =	simm.s32 $0x0;
	[dreg:$0x8] =	wrdreg s0  }
.LBB2_1:
0x11: {  	s0 =	rddreg [dreg:$0x6];
	s17 =	simm.s32 $0x9  }
0x12: {  	p1 =	por $0x0, $0x0;
	s24 =	simm.s32 $0x1000;
	s29 =	sadd.s32 $0x2000, s10  }
0x13: {  	[tilespmem:s3], [sflag:$0x9] =	stream.linear.gather [hbm4b:s0+s3], $0x6400, $0x38;
	[tilespmem:$0x16400] =	vst v63  }
0x14: {  	s30 =	simm.s32 $0x800;
	s0 =	sadd.s32 @p1 $0x1FFFF000, s10;
	_ =	swait.ge [sflag:s17], $0x6400  }
0x15: {  	p0 =	por p1, p1;
	s6 =	sadd.s32 @p1 $0x1FFFF800, s10;
	[sflag:s17] =	ssyncset.done $0x0  }
0x16: {  	s0 =	sand.u32 @p1 $0x1FFFF000, s0;
	s1 =	simm.s32 @p0 $0x5;
	[sflag:s17] =	ssyncadd.s32 $0xFFFF9C00  }
0x17: {  	s7 =	simm.s32 @p0 $0x6400;
	s8 =	simm.s32 @p0 $0x3;
	_ =	swait.ge @p0 [sflag:s1], $0x4000  }
0x18: {  	s25 =	simm.s32 @p0 $0x100;
	s26 =	simm.s32 @p0 $0xE400;
	[sflag:s1] =	ssyncset.done @p0 $0x0  }
0x19: {  	s28 =	simm.s32 @p0 $0x4;
	[sflag:s1] =	ssyncadd.s32 @p0 $0xFFFFC000;
	s1 =	simm.s32 @p0 $0x0  }
0x1a: {  	[tilespmem:s7], [sflag:$0x1] =	stream.indirect.gather @p0 [hbm4b:s5+s25], $0x40, s1, s25, $0xb8;
	[tilespmem:$0x16400] =	vst v63  }
0x1b: {  	s0 =	sadd.s32 @p1 s2, s0;
	s1 =	sand.u32 @p1 $0x1FFFF800, s6;
	_ =	swait.ge @p0 [sflag:s8], $0x4000  }
0x1c: {  	s6 =	simm.s32 $0x0;
	s7 =	simm.s32 @p0 $0x6;
	[sflag:s8] =	ssyncset.done @p0 $0x0  }
0x1d: {  	s6 =	simm.s32 @!p1 $0x0;
	[sflag:s8] =	ssyncadd.s32 @p0 $0xFFFFC000;
	s8 =	simm.s32 @p0 $0x0  }
0x1e: {  	[hbm4b:s0+s8] =	stream.linear.scatter @p0 [tilespmem:s26], [sflag:$0x7], $0x4000, $0x38;
	[tilespmem:$0x16400] =	vst v63  }
0x1f: {  	s6 =	sadd.s32 s4, s6;
	s0 =	sadd.s32 @p1 s2, s1;
	_ =	swait.ge @p0 [sflag:s7], $0x4000  }
0x20: {  	s1 =	simm.s32 @p1 $0x100;
	s26 =	simm.s32 @p0 $0x100;
	[sflag:s7] =	ssyncset.done @p0 $0x0  }
0x21: {  	s1 =	simm.s32 @!p1 $0x100;
	[sflag:s7] =	ssyncadd.s32 @p0 $0xFFFFC000;
	s7 =	simm.s32 @p0 $0xA400  }
0x22: {  	[tilespmem:s7], [sflag:$0x2] =	stream.indirect.gather @p0 [hbm4b:s5+s25], $0x40, s26, s25, $0xb8;
	[tilespmem:$0x16400] =	vst v63  }
0x23: {  	s6 =	sshll.u32 s6, $0x3;
	s1 =	sadd.s32 s4, s1;
	_ =	swait.ge @p0 [sflag:s28], $0x4000  }
0x24: {  	s18 =	sand.u32 $0x1FFFE000, s6;
	s1 =	sshll.u32 s1, $0x3;
	[sflag:s28] =	ssyncset.done @p0 $0x0  }
0x25: {  	s7 =	simm.s32 @p0 $0x12400;
	s25 =	simm.s32 @p0 $0x7;
	[sflag:s28] =	ssyncadd.s32 @p0 $0xFFFFC000  }
0x26: {  	[hbm4b:s0+s8] =	stream.linear.scatter @p0 [tilespmem:s7], [sflag:$0x8], $0x4000, $0x38;
	[tilespmem:$0x16400] =	vst v63  }
0x27: {  	p1 =	por $0x1, $0x1;
	s6 =	sand.u32 $0x1FFFE800, s1;
	_ =	swait.ge @p0 [sflag:s25], $0x4000  }
0x28: {  	s1 =	simm.s32 @!p0 $0x6400;
	s26 =	simm.s32 $0x2000;
	[sflag:s25] =	ssyncset.done @p0 $0x0  }
0x29: {  	s7 =	simm.s32 @!p0 $0x100;
	s8 =	simm.s32 @!p0 $0x0;
	[sflag:s25] =	ssyncadd.s32 @p0 $0xFFFFC000  }
0x2a: {  	[tilespmem:s1], [sflag:$0x1] =	stream.indirect.gather @!p0 [hbm4b:s5+s7], $0x40, s8, s7, $0xb8;
	[tilespmem:$0x16400] =	vst v63  }
0x2b: {  	s0 =	sadd.s32 s2, s18;
	s18 =	simm.s32 $0x300;
	s8 =	simm.s32 @!p0 $0xA400  }
0x2c: {  	[tilespmem:s8], [sflag:$0x2] =	stream.indirect.gather @!p0 [hbm4b:s5+s7], $0x40, s7, s7, $0xb8;
	[tilespmem:$0x16400] =	vst v63  }
0x2d: {  	s25 =	simm.s32 $0x200;
	s1 =	simm.s32 $0x400;
	s7 =	sadd.s32 @p1 $0x1FFFF000, s29  }
0x2e: {  	s1 =	simm.s32 @!p1 $0x0;
	s8 =	sadd.s32 @p1 $0x1FFFF800, s29;
	s7 =	sand.u32 @p1 $0x1FFFF000, s7  }
0x2f: {  	[tilespmem:s13], [sflag:$0x3] =	stream.indirect.gather [hbm4b:s5+s12], $0x40, s25, s12, $0xb8;
	[tilespmem:$0x16400] =	vst v63  }
0x30: {  	s31 =	sadd.s32 @p1 s2, s7;
	s7 =	sand.u32 @p1 $0x1FFFF800, s8;
	_ =	swait.ge [sflag:s14], $0x4000  }
0x31: {  	p0 =	por $0x1, $0x1;
	s28 =	sadd.s32 @p1 s2, s7;
	[sflag:s14] =	ssyncset.done $0x0  }
0x32: {  	s7 =	simm.s32 @!p0 $0x8;
	s9 =	rddreg [dreg:$0x4];
	[sflag:s14] =	ssyncadd.s32 $0xFFFFC000  }
0x33: {  	[hbm4b:s0+s3] =	stream.linear.scatter [tilespmem:s9], [sflag:$0x5], $0x4000, $0x38;
	[tilespmem:$0x16400] =	vst v63  }
0x34: {  	s11 =	sadd.s32 s4, s1;
	s1 =	simm.s32 @p1 $0x500;
	_ =	swait.ge @!p0 [sflag:s7], $0x4000  }
0x35: {  	s29 =	sadd.s32 $0x2000, s29;
	s1 =	simm.s32 @!p1 $0x100;
	[sflag:s7] =	ssyncset.done @!p0 $0x0  }
0x36: {  	s17 =	sadd.s32 s4, s1;
	s0 =	sshll.u32 s11, $0x3;
	[sflag:s7] =	ssyncadd.s32 @!p0 $0xFFFFC000  }
0x37: {  	[tilespmem:s15], [sflag:$0x4] =	stream.indirect.gather [hbm4b:s5+s12], $0x40, s18, s12, $0xb8;
	[tilespmem:$0x16400] =	vst v63  }
0x38: {  	s25 =	sand.u32 $0x1FFFE000, s0;
	s0 =	sshll.u32 s17, $0x3;
	_ =	swait.ge [sflag:s16], $0x4000  }
0x39: {  	s1 =	sand.u32 $0x1FFFE800, s0;
	p0 =	por p1, p1;
	[sflag:s16] =	ssyncset.done $0x0  }
0x3a: {  	s7 =	sadd.s32 s2, s6;
	s8 =	rddreg [dreg:$0x5];
	[sflag:s16] =	ssyncadd.s32 $0xFFFFC000  }
.LBB2_2:
0x3b: {  	p1 =	sne.s32 s26, $0x0;
	s9 =	simm.s32 @p0 $0x5  }
0x3c: {  	[hbm4b:s7+s3] =	stream.linear.scatter [tilespmem:s8], [sflag:$0x6], $0x4000, $0x38;
	[tilespmem:$0x16400] =	vst v63  }
0x3d: {  	s0 =	smov.u32 s1;
	s8 =	simm.s32 @p0 $0x6400;
	_ =	swait.ge @p0 [sflag:s9], $0x4000  }
0x3e: {  	s11 =	simm.s32 @p0 $0x3;
	s17 =	simm.s32 @p0 $0x100;
	[sflag:s9] =	ssyncset.done @p0 $0x0  }
0x3f: {  	s1 =	sadd.s32 @p1 $0x1FFFF000, s29;
	[sflag:s9] =	ssyncadd.s32 @p0 $0xFFFFC000;
	s9 =	sshra.s32 @p0 s24, $0x2  }
0x40: {  	[tilespmem:s8], [sflag:$0x1] =	stream.indirect.gather @p0 [hbm4b:s5+s17], $0x40, s9, s17, $0xb8;
	[tilespmem:$0x16400] =	vst v63  }
0x41: {  	s18 =	simm.s32 @p0 $0xE400;
	s1 =	sand.u32 @p1 $0x1FFFF000, s1;
	_ =	swait.ge @p0 [sflag:s11], $0x4000  }
0x42: {  	s8 =	sadd.s32 @p0 $0x100, s9;
	s9 =	sadd.s32 @p1 s2, s1;
	[sflag:s11] =	ssyncset.done @p0 $0x0  }
0x43: {  	s1 =	simm.s32 @p0 $0x6;
	[sflag:s11] =	ssyncadd.s32 @p0 $0xFFFFC000;
	s11 =	simm.s32 @p0 $0x0  }
0x44: {  	[hbm4b:s31+s11] =	stream.linear.scatter @p0 [tilespmem:s18], [sflag:$0x7], $0x4000, $0x38;
	[tilespmem:$0x16400] =	vst v63  }
0x45: {  	s18 =	smov.u32 s30;
	_ =	swait.ge @p0 [sflag:s1], $0x4000  }
0x46: {  	s31 =	simm.s32 @p0 $0x4;
	s18 =	simm.s32 @!p1 $0x0;
	[sflag:s1] =	ssyncset.done @p0 $0x0  }
0x47: {  	s18 =	sadd.s32 s4, s18;
	[sflag:s1] =	ssyncadd.s32 @p0 $0xFFFFC000;
	s1 =	simm.s32 @p0 $0xA400  }
0x48: {  	[tilespmem:s1], [sflag:$0x2] =	stream.indirect.gather @p0 [hbm4b:s5+s17], $0x40, s8, s17, $0xb8;
	[tilespmem:$0x16400] =	vst v63  }
0x49: {  	s6 =	smov.u32 s26;
	s18 =	sshll.u32 s18, $0x3;
	_ =	swait.ge @p0 [sflag:s31], $0x4000  }
0x4a: {  	s26 =	sadd.s32 $0x1000, s26;
	s8 =	sand.u32 $0x1FFFE000, s18;
	[sflag:s31] =	ssyncset.done @p0 $0x0  }
0x4b: {  	s17 =	simm.s32 @p0 $0x12400;
	s18 =	simm.s32 @p0 $0x7;
	[sflag:s31] =	ssyncadd.s32 @p0 $0xFFFFC000  }
0x4c: {  	[hbm4b:s28+s11] =	stream.linear.scatter @p0 [tilespmem:s17], [sflag:$0x8], $0x4000, $0x38;
	[tilespmem:$0x16400] =	vst v63  }
0x4d: {  	s7 =	sadd.s32 @p1 $0x1FFFF800, s29;
	p2 =	sne.s32 s26, $0x19000;
	_ =	swait.ge @p0 [sflag:s18], $0x4000  }
0x4e: {  	s7 =	sand.u32 @p1 $0x1FFFF800, s7;
	s11 =	simm.s32 @!p0 $0x6400;
	[sflag:s18] =	ssyncset.done @p0 $0x0  }
0x4f: {  	s17 =	simm.s32 @!p0 $0x100;
	[sflag:s18] =	ssyncadd.s32 @p0 $0xFFFFC000;
	s18 =	simm.s32 @!p0 $0x0  }
0x50: {  	[tilespmem:s11], [sflag:$0x1] =	stream.indirect.gather @!p0 [hbm4b:s5+s17], $0x40, s18, s17, $0xb8;
	[tilespmem:$0x16400] =	vst v63  }
0x51: {  	s1 =	sadd.s32 @p1 $0x100, s30;
	s11 =	simm.s32 @!p0 $0xA400;
	s18 =	sshra.s32 s24, $0x2  }
0x52: {  	[tilespmem:s11], [sflag:$0x2] =	stream.indirect.gather @!p0 [hbm4b:s5+s17], $0x40, s17, s17, $0xb8;
	[tilespmem:$0x16400] =	vst v63  }
0x53: {  	s7 =	sadd.s32 @p1 s2, s7;
	s1 =	simm.s32 @!p1 $0x100;
	s17 =	sadd.s32 $0x200, s18  }
0x54: {  	[tilespmem:s13], [sflag:$0x3] =	stream.indirect.gather [hbm4b:s5+s12], $0x40, s17, s12, $0xb8;
	[tilespmem:$0x16400] =	vst v63  }
0x55: {  	p0 =	por p1, p1;
	p1 =	seq.s32 s24, $0x0;
	_ =	swait.ge [sflag:s14], $0x4000  }
0x56: {  	s28 =	smov.u32 s7;
	s7 =	simm.s32 @!p1 $0x8;
	[sflag:s14] =	ssyncset.done $0x0  }
0x57: {  	s17 =	sadd.s32 s2, s25;
	s11 =	rddreg [dreg:$0x4];
	[sflag:s14] =	ssyncadd.s32 $0xFFFFC000  }
0x58: {  	[hbm4b:s17+s3] =	stream.linear.scatter [tilespmem:s11], [sflag:$0x5], $0x4000, $0x38;
	[tilespmem:$0x16400] =	vst v63  }
0x59: {  	s29 =	sadd.s32 $0x2000, s29;
	s1 =	sadd.s32 s4, s1;
	_ =	swait.ge @!p1 [sflag:s7], $0x4000  }
0x5a: {  	s30 =	sadd.s32 $0x400, s30;
	s1 =	sshll.u32 s1, $0x3;
	[sflag:s7] =	ssyncset.done @!p1 $0x0  }
.Ltmp0:
0x5b: {  	s18 =	sadd.s32 $0x300, s18;
	[sflag:s7] =	ssyncadd.s32 @!p1 $0xFFFFC000;
	(pc) =	sbr.rel @p2 .LBB2_2-.Ltmp0, $4  }
0x5c: {  	[tilespmem:s15], [sflag:$0x4] =	stream.indirect.gather [hbm4b:s5+s12], $0x40, s18, s12, $0xb8;
	[tilespmem:$0x16400] =	vst v63  }
0x5d: {  	s31 =	smov.u32 s9;
	s1 =	sand.u32 $0x1FFFE800, s1;
	_ =	swait.ge [sflag:s16], $0x4000  }
0x5e: {  	s24 =	smov.u32 s6;
	s25 =	smov.u32 s8;
	[sflag:s16] =	ssyncset.done $0x0  }
0x5f: {  	s7 =	sadd.s32 s2, s0;
	s8 =	rddreg [dreg:$0x5];
	[sflag:s16] =	ssyncadd.s32 $0xFFFFC000  }
0x60: {  	s0 =	simm.s32 @p0 $0x5  }
0x61: {  	[hbm4b:s7+s3] =	stream.linear.scatter [tilespmem:s8], [sflag:$0x6], $0x4000, $0x38;
	[tilespmem:$0x16400] =	vst v63  }
0x62: {  	_ =	swait.ge @p0 [sflag:s0], $0x4000  }
0x63: {  	s6 =	simm.s32 @p0 $0x6400;
	s7 =	simm.s32 @p0 $0x3;
	[sflag:s0] =	ssyncset.done @p0 $0x0  }
0x64: {  	s8 =	simm.s32 @p0 $0x100;
	[sflag:s0] =	ssyncadd.s32 @p0 $0xFFFFC000;
	s0 =	sshra.s32 @p0 s24, $0x2  }
0x65: {  	[tilespmem:s6], [sflag:$0x1] =	stream.indirect.gather @p0 [hbm4b:s5+s8], $0x40, s0, s8, $0xb8;
	[tilespmem:$0x16400] =	vst v63  }
0x66: {  	_ =	swait.ge @p0 [sflag:s7], $0x4000  }
0x67: {  	[sflag:s7] =	ssyncset.done @p0 $0x0  }
0x68: {  	s6 =	simm.s32 @p0 $0x0;
	[sflag:s7] =	ssyncadd.s32 @p0 $0xFFFFC000;
	s7 =	simm.s32 @p0 $0xE400  }
0x69: {  	[hbm4b:s31+s6] =	stream.linear.scatter @p0 [tilespmem:s7], [sflag:$0x7], $0x4000, $0x38;
	[tilespmem:$0x16400] =	vst v63  }
0x6a: {  	s7 =	simm.s32 @p0 $0x6  }
0x6b: {  	_ =	swait.ge @p0 [sflag:s7], $0x4000  }
0x6c: {  	[sflag:s7] =	ssyncset.done @p0 $0x0  }
0x6d: {  	s0 =	sadd.s32 @p0 $0x100, s0;
	[sflag:s7] =	ssyncadd.s32 @p0 $0xFFFFC000;
	s7 =	simm.s32 @p0 $0xA400  }
0x6e: {  	[tilespmem:s7], [sflag:$0x2] =	stream.indirect.gather @p0 [hbm4b:s5+s8], $0x40, s0, s8, $0xb8;
	[tilespmem:$0x16400] =	vst v63  }
0x6f: {  	s0 =	simm.s32 @p0 $0x4  }
0x70: {  	_ =	swait.ge @p0 [sflag:s0], $0x4000  }
0x71: {  	[sflag:s0] =	ssyncset.done @p0 $0x0  }
0x72: {  	[sflag:s0] =	ssyncadd.s32 @p0 $0xFFFFC000;
	s0 =	simm.s32 @p0 $0x12400  }
0x73: {  	[hbm4b:s28+s6] =	stream.linear.scatter @p0 [tilespmem:s0], [sflag:$0x8], $0x4000, $0x38;
	[tilespmem:$0x16400] =	vst v63  }
0x74: {  	s0 =	simm.s32 @p0 $0x7  }
0x75: {  	_ =	swait.ge @p0 [sflag:s0], $0x4000  }
0x76: {  	s7 =	simm.s32 @!p0 $0x0;
	[sflag:s0] =	ssyncset.done @p0 $0x0  }
0x77: {  	s6 =	simm.s32 @!p0 $0x6400;
	[sflag:s0] =	ssyncadd.s32 @p0 $0xFFFFC000;
	s0 =	simm.s32 @!p0 $0x100  }
0x78: {  	[tilespmem:s6], [sflag:$0x1] =	stream.indirect.gather @!p0 [hbm4b:s5+s0], $0x40, s7, s0, $0xb8;
	[tilespmem:$0x16400] =	vst v63  }
0x79: {  	s9 =	sshra.s32 s24, $0x2;
	s6 =	simm.s32 @!p0 $0xA400  }
0x7a: {  	[tilespmem:s6], [sflag:$0x2] =	stream.indirect.gather @!p0 [hbm4b:s5+s0], $0x40, s0, s0, $0xb8;
	[tilespmem:$0x16400] =	vst v63  }
0x7b: {  	s11 =	sadd.s32 $0x200, s9  }
0x7c: {  	[tilespmem:s13], [sflag:$0x3] =	stream.indirect.gather [hbm4b:s5+s12], $0x40, s11, s12, $0xb8;
	[tilespmem:$0x16400] =	vst v63  }
0x7d: {  	_ =	swait.ge [sflag:s14], $0x4000  }
0x7e: {  	s18 =	sadd.s32 s2, s25;
	p0 =	seq.s32 s24, $0x0;
	[sflag:s14] =	ssyncset.done $0x0  }
0x7f: {  	s6 =	simm.s32 @!p0 $0x8;
	s17 =	rddreg [dreg:$0x4];
	[sflag:s14] =	ssyncadd.s32 $0xFFFFC000  }
0x80: {  	[hbm4b:s18+s3] =	stream.linear.scatter [tilespmem:s17], [sflag:$0x5], $0x4000, $0x38;
	[tilespmem:$0x16400] =	vst v63  }
0x81: {  	_ =	swait.ge @!p0 [sflag:s6], $0x4000  }
0x82: {  	[sflag:s6] =	ssyncset.done @!p0 $0x0  }
0x83: {  	s0 =	sadd.s32 $0x300, s9;
	[sflag:s6] =	ssyncadd.s32 @!p0 $0xFFFFC000  }
0x84: {  	[tilespmem:s15], [sflag:$0x4] =	stream.indirect.gather [hbm4b:s5+s12], $0x40, s0, s12, $0xb8;
	[tilespmem:$0x16400] =	vst v63  }
0x85: {  	_ =	swait.ge [sflag:s16], $0x4000  }
0x86: {  	s1 =	sadd.s32 s2, s1;
	[sflag:s16] =	ssyncset.done $0x0  }
0x87: {  	s26 =	simm.s32 $0x3;
	s25 =	rddreg [dreg:$0x5];
	[sflag:s16] =	ssyncadd.s32 $0xFFFFC000  }
0x88: {  	[hbm4b:s1+s3] =	stream.linear.scatter [tilespmem:s25], [sflag:$0x6], $0x4000, $0x38;
	[tilespmem:$0x16400] =	vst v63  }
0x89: {  	_ =	swait.ge [sflag:s26], $0x4000  }
0x8a: {  	[sflag:s26] =	ssyncset.done $0x0  }
0x8b: {  	s29 =	simm.s32 $0x4;
	s28 =	rddreg [dreg:$0x7];
	[sflag:s26] =	ssyncadd.s32 $0xFFFFC000  }
0x8c: {  	[hbm4b:s28+s3] =	stream.linear.scatter [tilespmem:s13], [sflag:$0x7], $0x4000, $0x38;
	[tilespmem:$0x16400] =	vst v63  }
0x8d: {  	_ =	swait.ge [sflag:s29], $0x4000  }
0x8e: {  	[sflag:s29] =	ssyncset.done $0x0  }
0x8f: {  	s30 =	rddreg [dreg:$0x8];
	[sflag:s29] =	ssyncadd.s32 $0xFFFFC000  }
0x90: {  	[hbm4b:s30+s3] =	stream.linear.scatter [tilespmem:s15], [sflag:$0x8], $0x4000, $0x38;
	[tilespmem:$0x16400] =	vst v63  }
0x91: {  	_ =	swait.ge [sflag:s19], $0x4000  }
0x92: {  	[sflag:s19] =	ssyncset.done $0x0  }
0x93: {  	[sflag:s19] =	ssyncadd.s32 $0xFFFFC000  }
0x94: {  	_ =	swait.ge [sflag:s20], $0x4000  }
0x95: {  	[sflag:s20] =	ssyncset.done $0x0  }
0x96: {  	[sflag:s20] =	ssyncadd.s32 $0xFFFFC000  }
0x97: {  	_ =	swait.ge [sflag:s21], $0x4000  }
0x98: {  	[sflag:s21] =	ssyncset.done $0x0  }
0x99: {  	[sflag:s21] =	ssyncadd.s32 $0xFFFFC000  }
0x9a: {  	_ =	swait.ge [sflag:s22], $0x4000  }
0x9b: {  	s23 =	sadd.s32 $0x1, s23;
	s31 =	rddreg [dreg:$0x9]  }
0x9c: {  	p0 =	sne.s32 s23, s31  }
.Ltmp1:
0x9d: {  	_ = 	snop;
	(pc) =	sbr.rel @p0 .LBB2_1-.Ltmp1, $3  }
0x9e: {  	_ =	sdelay $0x1  }
0x9f: {  	[sflag:s22] =	ssyncset.done $0x0  }
0xa0: {  	[sflag:s22] =	ssyncadd.s32 $0xFFFFC000  }
0xa1: {  	_ =	sfence.sel $0x180000  }
0xa2: {  	[bflag:$0x0] =	sbarrier.arrive $0xFFFF  }
0xa3: {  	_ =	strace $0x90000047  }
0xa4: {  	s0 =	stileid.u32;
	[bflag:$0x2] =	sbarrier.arrive $0xFFFF  }
0xa5: {  	p0 =	sne.s32 s0, $0x0;
	s0 =	rddreg [dreg:$0x3]  }
0xa6: {  	s0 =	sadd.s32 @!p0 $0x100000, s0  }
0xa7: {  	[sflag:s0] =	ssyncadd.tile.s32 @!p0 $0x1;
	_ =	shalt  }
.Lfunc_end2:
_tile_overlayer_lowered:
.L_overlay_start_2:
0xa8: {  	(tag) =	ssettag $0x2  }
0xa9: {  	s0 =	rddreg [dreg:$0x0];
	s2 =	stileid.u32  }
0xaa: {  	s1 =	rddreg [dreg:$0x1];
	p0 =	sne.s32 s2, $0x0  }
0xab: {  	s3 =	rddreg [dreg:$0x2];
	[bflag:$0x3] =	sbarrier.arrive $0xFFFF;
	s2 =	simm.s32 @!p0 $0x1C09  }
0xac: {  	[timem:s3], [sflag:s2] =	dma.local @!p0 [hbm:s0], s1  }
0xad: {  	s0 =	simm.s32 @!p0 $0x9  }
0xae: {  	_ =	swait.ge @!p0 [sflag:s0], s1  }
0xaf: {  	s1 =	ssub.s32 @!p0 $0x0, s1;
	[sflag:s0] =	ssyncset.done @!p0 $0x0  }
0xb0: {  	[sflag:s0] =	ssyncadd.s32 @!p0 s1  }
0xb1: {  	[bflag:$0x3] =	sbarrier.arrive $0xFFFF  }
0xb2: {  	_ =	shalt  }

// kernel: sparse-core-data-format-call.cloned.1.call-start
scs
called_computation_lowered:
.L_overlay_start_0:
0x0: {  	s2 =	sld [smem:$0x3FD9]  }
0x1: {  	s3 =	sld [smem:$0x3FFE];
	_ =	sdelay $0x1  }
0x2: {  	s1 =	srdreg.scid  }
0x3: {  	s0 =	sand.u32 $0x1, s1  }
0x4: {  	s18 =	sshll.u32 s0, $0xA;
	s2 =	sadd.s32 s3, s2  }
0x5: {  	s2 =	sadd.s32 s2, s18  }
0x6: {  	[smem:$0x3FC6] =	sst s2  }
0x7: {  	_ = 	snop  }
0x8: {  	s2 =	sld [smem:$0x3FD0];
	(tm) =	ssettm $0x1  }
0x9: {  	s19 =	sld [smem:$0x3FFB];
	_ =	sdelay $0x3  }
0xa: {  	_ =	strace s19  }
0xb: {  	s3 =	sld [smem:$0x3FFC];
	_ =	sdelay $0x3  }
0xc: {  	_ =	strace s3  }
0xd: {  	s3 =	sld [smem:$0x3FFD];
	_ =	sdelay $0x3  }
0xe: {  	_ =	strace s3  }
0xf: {  	_ =	strace $0x8FFFFFFF  }
0x10: {  	s20 =	sld [smem:$0x3FDB];
	_ =	sdelay $0x1  }
0x11: {  	s4 =	simm.s32 $_scs_section_size  }
0x12: {  	s5 =	simm.s32 $_size__tile_overlayer_lowered;
	s6 =	simm.s32 $_tile_overlayer_lowered  }
0x13: {  	s23 =	simm.s32 $0x1BFF;
	s22 =	sshll.u32 s6, $0x1;
	s3 =	sadd.s32 s4, s20  }
0x14: {  	s7 =	simm.s32 $0x0;
	s21 =	sshll.u32 s5, $0x1;
	s5 =	sadd.s32 s22, s3  }
0x15: {  	[timem:s7], [sflag:s23] =	dma.local [hbm:s5], s21  }
0x16: {  	_ =	swait.ge [sflag:s23], s21  }
0x17: {  	s4 =	ssub.s32 $0x0, s21;
	[sflag:s23] =	ssyncset.done $0x0  }
0x18: {  	[sflag:s23] =	ssyncadd.s32 s4;
	_ =	sdelay $0x1  }
0x19: {  	s24 =	simm.s32 $0x1B8B  }
0x1a: {  	_ =	swait.ge [sflag:s24], $0x1  }
0x1b: {  	[sflag:s24] =	ssyncset.done $0x0  }
0x1c: {  	s26 =	simm.s32 $0x1B8E;
	s25 =	sld [smem:$0x3FFE];
	[sflag:s24] =	ssyncadd.s32 $0xFFFFFFFF  }
0x1d: {  	s27 =	simm.s32 $execute0_lowered;
	[smem:$0x3FD2] =	sst s26  }
0x1e: {  	s5 =	sshll.u32 s27, $0x1;
	_ =	strace $0x80000049;
	[dreg:$0x1] =	wrdreg $0xFFFFFFFF  }
0x1f: {  	s28 =	simm.s32 $_size_execute0_lowered;
	s3 =	sadd.s32 s3, s5;
	[dreg:$0x0] =	wrdreg $0x0  }
0x20: {  	s5 =	sshll.u32 s28, $0x1;
	[dreg:$0x2] =	wrdreg s3  }
0x21: {  	[dreg:$0x3] =	wrdreg s5  }
0x22: {  	[dreg:$0x4] =	wrdreg $0xC0  }
0x23: {  	_ =	task [dreg:s7], $0x5FFFF  }
0x24: {  	[dreg:$0x1] =	wrdreg $0xFFFFFFFF  }
0x25: {  	[dreg:$0x0] =	wrdreg $0x60  }
0x26: {  	[dreg:$0x2] =	wrdreg s25  }
0x27: {  	[dreg:$0x3] =	wrdreg s2  }
0x28: {  	[dreg:$0x4] =	wrdreg $0x9  }
0x29: {  	_ =	task.clear_ibuf [dreg:s7], $0x5FFFF;
	_ =	strace $0x90000049  }
0x2a: {  	s29 =	simm.s32 $0x9;
	_ =	strace $0x8000004B  }
0x2b: {  	_ =	swait.ge [sflag:s29], $0x1  }
0x2c: {  	[sflag:s29] =	ssyncadd.s32 $0xFFFFFFFF  }
0x2d: {  	_ =	strace $0x9000004B  }
0x2e: {  	_ =	sfence  }
0x2f: {  	s30 =	sld [smem:$0x0];
	_ =	sdelay $0x2  }
0x30: {  	s31 =	sshll.u32 s1, $0xD;
	s1 =	sshrl.u32 s1, $0x2  }
0x31: {  	s3 =	sand.u32 $0x4000, s31;
	s1 =	sadd.s32 s1, s30  }
0x32: {  	s0 =	sor.u32 s3, s0;
	s1 =	sshll.u32 s1, $0x11  }
0x33: {  	s0 =	sor.u32 s1, s0  }
0x34: {  	s0 =	sadd.s32 $0x8F2B, s0  }
0x35: {  	[sflag:s0] =	ssyncadd.remote.s32 $0x1  }
0x36: {  	_ =	sfence.sel $0xFFFF  }
0x37: {  	[dreg:$0x0] =	wrdreg $0xFFFFFFFF;
	(pc) =	sbr.abs _section_cstart, $3  }
0x38: {  	[dreg:$0x1] =	wrdreg $0xFFFFFFFF  }
0x39: {  	_ =	task.clear_ibuf [dreg:s7], $0x2FFFF;
	_ =	strace $0x9FFFFFFF  }
0x3a: {  	(tm) =	ssettm $0x7FFFFFFF  }
0x3b: {  	_ =	shalt  }
tec
execute0_lowered:
.L_overlay_start_1:
0x0: {  	(tag) =	ssettag $0x1  }
0x1: {  	s0 =	srdreg.scid  }
0x2: {  	s1 =	sshll.u32 s0, $0x4  }
0x3: {  	s4 =	rddreg [dreg:$0x0];
	s0 =	stileid.u32;
	s1 =	sand.u32 $0x10, s1  }
0x4: {  	s2 =	rddreg [dreg:$0x1];
	s7 =	simm.s32 $0x1;
	s1 =	sor.u32 s0, s1  }
0x5: {  	s8 =	simm.s32 $0x2;
	s11 =	simm.s32 $0x0;
	s3 =	sshll.u32 s1, $0x7  }
0x6: {  	s10 =	simm.s32 $0x0;
	s4 =	sadd.s32 $0x800, s4;
	s6 =	ssub.s32 $0xC8000, s3  }
.Ltmp0:
0x7: {  	s1 =	rddreg [dreg:$0x2];
	s5 =	sand.u32 $0xF80, s6;
	(pc) =	sbr.rel .LBB1_1-.Ltmp0, $4  }
0x8: {  	_ =	strace $0x8000004A;
	s9 =	smov.u32 s3;
	p0 =	sne.s32 s5, $0x0  }
0x9: {  	s6 =	sshrl.u32 s6, $0xC;
	s5 =	simm.s32 $0x1;
	s7 =	simm.s32 @!p0 $0x0  }
0xa: {  	[sflag:s5] =	ssyncpa.u1 $0x0;
	p0 =	por $0x0, $0x0;
	s6 =	sadd.s32 s7, s6  }
0xb: {  	[sflag:s8] =	ssyncpa.u1 $0x0;
	s8 =	simm.s32 $0x640000;
	s7 =	sadd.s32 $0x1, s6  }
.LBB1_4:
0xc: {  	s14 =	sshll.u32 s11, $0x3  }
0xd: {  	s30 =	sand.u32 $0x7F, s11;
	s15 =	sand.u32 $0xFFFFFC00, s14  }
0xe: {  	s11 =	sor.u32 s30, s15  }
0xf: {  	s15 =	smulhi.u32 $0x51EB851F, s11  }
0x10: {  	s14 =	smulhi.u32 $0x51EB851F, s14  }
0x11: {  	s15 =	sshrl.u32 s15, $0x12  }
0x12: {  	s14 =	sshrl.u32 s14, $0x12;
	s15 =	smul.u32 $0xC8000, s15  }
0x13: {  	s14 =	sand.u32 $0x3F, s14  }
0x14: {  	s14 =	smul.u32 $0x19000, s14;
	s11 =	ssub.s32 s11, s15  }
0x15: {  	[tilespmem:s13+$0x810 ss:$0x81] =	vst.msk $0xffff, v2;
	s15 =	sand.u32 $0x7, s11  }
0x16: {  	[tilespmem:s13+$0x1020 ss:$0x81] =	vst.msk $0xffff, v0;
	s14 =	sadd.s32 s2, s14;
	s11 =	sshrl.u32 s11, $0x3;
	s15 =	sshll.u32 s15, $0x12  }
0x17: {  	[tilespmem:s13+$0x0 ss:$0x81] =	vst.msk $0xffff, v1;
	s11 =	sadd.s32 s11, s14;
	s31 =	sor.u32 $0x400, s15  }
0x18: {  	[hbm4b:s11+s31] =	stream.strided.scatter [tilespmem:s12], [sflag:$0x2], $0x2000, s8, s31, $0x20;
	[tilespmem:$0x8080] =	vst v63  }
.LBB1_5:
0x19: {  	s13 =	sadd.s32 $0x1000, s9  }
0x1a: {  	p2 =	sgt.s32 s13, $0xC7FFF  }
0x1b: {  	s13 =	smov.u32 @p2 s3;
	p2 =	sne.s32 s10, s7  }
.Ltmp1:
0x1c: {  	p1 =	slt.u32 s10, $0x2;
	(pc) =	sbr.rel @!p2 .LBB1_6-.Ltmp1, $4  }
0x1d: {  	s12 =	simm.s32 @!p1 $0x2  }
0x1e: {  	s14 =	sadd.s32 $0x1, s10;
	_ =	swait.ge @!p1 [sflag:s12], $0x2000  }
0x1f: {  	s11 =	smov.u32 s9;
	p0 =	por !p0, !p0;
	[sflag:s12] =	ssyncset.done @!p1 $0x0  }
0x20: {  	s10 =	smov.u32 s14;
	s9 =	smov.u32 s13;
	[sflag:s12] =	ssyncadd.s32 @!p1 $0xFFFFE000  }
.LBB1_1:
0x21: {  	p1 =	sge.u32 s10, s6  }
0x22: {  	s12 =	sand.u32 @!p1 $0x1FFFFFF, s9  }
0x23: {  	s13 =	smulhi.u32 @!p1 $0x147AE15, s12;
	_ =	sdelay $0x1  }
0x24: {  	s13 =	sshrl.u32 @!p1 s13, $0xC  }
0x25: {  	s13 =	smul.u32 @!p1 $0xC8000, s13;
	_ =	sdelay $0x1  }
0x26: {  	s31 =	sadd.s32 $0xFFFFFFFF, s10;
	s14 =	sxor.u32 @!p1 $0xFFFFFFFF, s10;
	s12 =	ssub.s32 @!p1 s12, s13  }
0x27: {  	s15 =	simm.s32 @!p1 $0x80;
	s14 =	sshll.u32 @!p1 s14, $0xD;
	s12 =	sshll.u32 @!p1 s12, $0x4  }
0x28: {  	s13 =	sand.u32 @!p1 $0x2000, s14;
	s14 =	simm.s32 @!p1 $0x40;
	s12 =	sadd.s32 @!p1 s4, s12  }
0x29: {  	[tilespmem:s13], [sflag:$0x1] =	stream.strided.gather @!p1 [hbm4b:s12+s14], $0x2000, s15, s14, $0x38;
	[tilespmem:$0x8080] =	vst v63  }
0x2a: {  	p1 =	sge.u32 s31, s6  }
.Ltmp2:
0x2b: {  	_ = 	snop;
	(pc) =	sbr.rel @p1 .LBB1_5-.Ltmp2, $1  }
0x2c: {  	_ =	sdelay $0x3  }
0x2d: {  	s12 =	simm.s32 $0x1  }
0x2e: {  	_ =	swait.ge [sflag:s5], $0x2000;
	s12 =	simm.s32 @!p0 $0x0  }
0x2f: {  	[sflag:s5] =	ssyncset.done $0x0;
	s13 =	sshll.u32 s12, $0xD  }
0x30: {  	[sflag:s5] =	ssyncadd.s32 $0xFFFFE000;
	s16 =	sor.u32 $0x20, s13  }
0x31: {  	s12 =	smul.u32 $0x8100, s12;
	v3 =	vld [tilespmem:s16+$0x10]  }
0x32: {  	s30 =	sand.u32 $0x1, s10;
	v2 =	vld [tilespmem:s16+$0xFFFFFFF0]  }
0x33: {  	s13 =	smul.u32 $0x8100, s30;
	s12 =	sshrl.u32 s12, $0x2;
	v0 =	vld [tilespmem:s16+$0x0]  }
0x34: {  	v1 =	vld [tilespmem:s16+$0xFFFFFFE0];
	s14 =	sor.u32 $0x4000, s12  }
0x35: {  	s31 =	sshrl.u32 s13, $0x2;
	s13 =	sadd.s32 $0x0, s14  }
0x36: {  	s15 =	simm.s32 $0x4;
	s16 =	sadd.s32 $0x40, s16;
	s12 =	sor.u32 $0x4000, s31;
	[tilespmem:s13+$0x1830 ss:$0x81] =	vst.msk $0xffff, v3  }
.LBB1_3:
0x37: {  	v3 =	vld [tilespmem:s16+$0x10];
	p1 =	sne.s32 s15, $0x1FC;
	[tilespmem:s13+$0x810 ss:$0x81] =	vst.msk $0xffff, v2;
	s17 =	smov.u32 s15;
	s15 =	sadd.s32 $0x4, s15  }
.Ltmp3:
0x38: {  	v2 =	vld [tilespmem:s16+$0xFFFFFFF0];
	[tilespmem:s13+$0x1020 ss:$0x81] =	vst.msk $0xffff, v0;
	(pc) =	sbr.rel @p1 .LBB1_3-.Ltmp3, $4  }
0x39: {  	v0 =	vld [tilespmem:s16+$0x0];
	[tilespmem:s13+$0x0 ss:$0x81] =	vst.msk $0xffff, v1  }
0x3a: {  	s13 =	sshra.s32 s17, $0x2;
	v1 =	vld [tilespmem:s16+$0xFFFFFFE0]  }
0x3b: {  	s13 =	sadd.s32 s13, s14  }
0x3c: {  	s16 =	sadd.s32 $0x40, s16;
	[tilespmem:s13+$0x1830 ss:$0x81] =	vst.msk $0xffff, v3  }
.Ltmp4:
0x3d: {  	_ = 	snop;
	(pc) =	sbr.rel .LBB1_4-.Ltmp4, $1  }
0x3e: {  	_ =	sdelay $0x3  }
.LBB1_6:
0x3f: {  	_ =	sfence.sel $0x180000  }
0x40: {  	s2 =	simm.s32 $0x1;
	[bflag:$0x0] =	sbarrier.arrive $0xFFFF  }
0x41: {  	s31 =	simm.s32 $0x2;
	[sflag:s2] =	ssyncpa.u1 $0x1  }
0x42: {  	[sflag:s31] =	ssyncpa.u1 $0x1  }
0x43: {  	p0 =	sne.s32 s0, $0x0;
	_ =	strace $0x9000004A  }
0x44: {  	s0 =	sadd.s32 @!p0 $0x100000, s1;
	[bflag:$0x2] =	sbarrier.arrive $0xFFFF  }
0x45: {  	[sflag:s0] =	ssyncadd.tile.s32 @!p0 $0x1;
	_ =	shalt  }
.Lfunc_end1:
_tile_overlayer_lowered:
.L_overlay_start_2:
0x46: {  	(tag) =	ssettag $0x2  }
0x47: {  	s0 =	rddreg [dreg:$0x0];
	s2 =	stileid.u32  }
0x48: {  	s1 =	rddreg [dreg:$0x1];
	p0 =	sne.s32 s2, $0x0  }
0x49: {  	s3 =	rddreg [dreg:$0x2];
	[bflag:$0x3] =	sbarrier.arrive $0xFFFF;
	s2 =	simm.s32 @!p0 $0x1C01  }
0x4a: {  	[timem:s3], [sflag:s2] =	dma.local @!p0 [hbm:s0], s1  }
0x4b: {  	s0 =	simm.s32 @!p0 $0x1  }
0x4c: {  	_ =	swait.ge @!p0 [sflag:s0], s1  }
0x4d: {  	s1 =	ssub.s32 @!p0 $0x0, s1;
	[sflag:s0] =	ssyncset.done @!p0 $0x0  }
0x4e: {  	[sflag:s0] =	ssyncadd.s32 @!p0 s1  }
0x4f: {  	[bflag:$0x3] =	sbarrier.arrive $0xFFFF  }
0x50: {  	_ =	shalt  }

</sc_bundles>
